<compile_context>
chip_gen: v7x
topology: tpu7x:2x2x1
jax: 0.10.2.dev20260603
libtpu: 0.0.44.dev20260713+nightly
codegen_flags: <defaults>
</compile_context>

<pallas_src>
import functools

import jax
import jax.numpy as jnp
from jax import lax
from jax.experimental import pallas as pl
from jax.experimental.pallas import tpu as pltpu
from jax.experimental.pallas import tpu_sc as plsc

N = 10000
E = 320000
D = 128
DH = D // 2
G = 64
NC = 2
NS = 16
NW = NC * NS
K = 80
CPT = E // (NS * K)
CPW = E // (NW * K)
RPT = 624
TAIL = N - NS * RPT
ZROWS = 208

_mesh = plsc.VectorSubcoreMesh(core_axis_name="c", subcore_axis_name="s")
_sc_params = pltpu.CompilerParams(use_tc_tiling_on_sc=False)


@functools.partial(
    pl.kernel,
    out_type=jax.ShapeDtypeStruct((NC, N), jnp.float32),
    mesh=_mesh,
    scratch_types=[
        pltpu.VMEM((CPW, K), jnp.int32),
        pltpu.VMEM((K,), jnp.float32),
        pltpu.VMEM((N,), jnp.float32),
        pltpu.VMEM_SHARED((N,), jnp.float32),
    ],
    compiler_params=_sc_params,
)
def _sc_degree(dst_hbm, out_hbm, dstv, ones_v, zbuf, deg_sh):
    c = lax.axis_index("c")
    s = lax.axis_index("s")
    w = c * NS + s

    for i in range(K // 16):
        ones_v[pl.ds(i * 16, 16)] = jnp.ones((16,), jnp.float32)

    @pl.when(s == 0)
    def _zero():
        def zb(i, _):
            zbuf[pl.ds(i * 16, 16)] = jnp.zeros((16,), jnp.float32)
            return 0
        lax.fori_loop(0, N // 16, zb, 0)
        pltpu.sync_copy(zbuf, deg_sh)

    pltpu.sync_copy(dst_hbm.at[w], dstv)
    plsc.subcore_barrier()

    def body(j, _):
        pltpu.sync_copy(ones_v, deg_sh.at[dstv.at[j]], add=True)
        return 0
    lax.fori_loop(0, CPW, body, 0)

    plsc.subcore_barrier()

    @pl.when(s == 0)
    def _writeout():
        pltpu.sync_copy(deg_sh, out_hbm.at[c])


@functools.partial(
    pl.kernel,
    out_type=jax.ShapeDtypeStruct((NC, N, DH), jnp.float32),
    mesh=_mesh,
    scratch_types=[
        pltpu.VMEM((CPT, K), jnp.int32),
        pltpu.VMEM((CPT, K), jnp.int32),
        [pltpu.VMEM((K, DH), jnp.float32)] * 5,
        pltpu.VMEM((ZROWS, DH), jnp.float32),
        pltpu.VMEM_SHARED((N, DH), jnp.float32),
        [pltpu.SemaphoreType.DMA] * 5,
    ],
    compiler_params=_sc_params,
)
def _sc_scatter(g_hbm, src_hbm, dst_hbm, out_hbm, srcv, dstv, rows,
                zbuf, acc_sh, sems):
    c = lax.axis_index("c")
    s = lax.axis_index("s")

    def zb(i, _):
        for jj in range(DH // 16):
            zbuf[i, pl.ds(jj * 16, 16)] = jnp.zeros((16,), jnp.float32)
        return 0
    lax.fori_loop(0, ZROWS, zb, 0)
    for kk in range(RPT // ZROWS):
        pltpu.sync_copy(zbuf, acc_sh.at[pl.ds(s * RPT + kk * ZROWS, ZROWS)])

    @pl.when(s == 0)
    def _zero_tail():
        pltpu.sync_copy(zbuf.at[pl.ds(0, TAIL)], acc_sh.at[pl.ds(NS * RPT, TAIL)])

    pltpu.sync_copy(src_hbm.at[s], srcv)
    pltpu.sync_copy(dst_hbm.at[s], dstv)
    plsc.subcore_barrier()

    gc = g_hbm.at[c]

    NBUF = 5
    for b in range(NBUF):
        pltpu.async_copy(gc.at[srcv.at[b]], rows[b], sems[b])

    def body(t, _):
        for b in range(NBUF):
            j = NBUF * t + b
            pltpu.make_async_copy(gc.at[srcv.at[j]], rows[b], sems[b]).wait()
            pltpu.sync_copy(rows[b], acc_sh.at[dstv.at[j]], add=True)

            @pl.when(j + NBUF < CPT)
            def _g():
                pltpu.async_copy(gc.at[srcv.at[j + NBUF]], rows[b], sems[b])
        return 0
    lax.fori_loop(0, CPT // NBUF, body, 0)

    plsc.subcore_barrier()
    pltpu.sync_copy(acc_sh.at[pl.ds(s * RPT, RPT)], out_hbm.at[c, pl.ds(s * RPT, RPT)])

    @pl.when(s == 0)
    def _write_tail():
        pltpu.sync_copy(acc_sh.at[pl.ds(NS * RPT, TAIL)],
                        out_hbm.at[c, pl.ds(NS * RPT, TAIL)])


_HI = lax.Precision.HIGHEST
BN = 5000
NB = N // BN

_b_acc = pl.BlockSpec((NC, BN, DH), lambda i: (0, i, 0))
_b_rows = pl.BlockSpec((BN, D), lambda i: (i, 0))
_b_dis = pl.BlockSpec((BN, 1), lambda i: (i, 0))
_b_row128 = pl.BlockSpec((1, D), lambda i: (0, 0))
_b_full = lambda shape: pl.BlockSpec(shape, lambda i: tuple(0 for _ in shape))


def _tc_first_body(x_ref, w_ref, degt_ref, g_ref, dis_ref):
    deg = jnp.sum(degt_ref[...], axis=1, keepdims=True) + 1.0
    dis = lax.rsqrt(deg)
    g = jnp.dot(x_ref[...], w_ref[...],
                preferred_element_type=jnp.float32) * dis
    g_ref[0] = g[:, :DH]
    g_ref[1] = g[:, DH:]
    dis_ref[...] = dis


def _tc_first(x, W1, degT):
    return pl.pallas_call(
        _tc_first_body,
        grid=(NB,),
        in_specs=[_b_rows, _b_full((D, D)), pl.BlockSpec((BN, 2), lambda i: (i, 0))],
        out_specs=[_b_acc, _b_dis],
        out_shape=[
            jax.ShapeDtypeStruct((NC, N, DH), jnp.float32),
            jax.ShapeDtypeStruct((N, 1), jnp.float32),
        ],
    )(x, W1, degT)


def _tc_block_a(acc, g, dis, b):
    def body(acc_ref, g_ref, dis_ref, b_ref, h_ref, s_ref, q_ref):
        dis = dis_ref[...]
        h = jnp.concatenate(
            [acc_ref[0] + g_ref[0], acc_ref[1] + g_ref[1]], axis=1)
        h = jnp.maximum(dis * h + b_ref[...], 0.0)
        h_ref[...] = h
        s_ref[...] = jnp.sum(h, axis=0, keepdims=True)[None]
        q_ref[...] = jnp.sum(h * h, axis=0, keepdims=True)[None]
    return pl.pallas_call(
        body,
        grid=(NB,),
        in_specs=[_b_acc, _b_acc, _b_dis, _b_row128],
        out_specs=[_b_rows,
                   pl.BlockSpec((1, 1, D), lambda i: (i, 0, 0)),
                   pl.BlockSpec((1, 1, D), lambda i: (i, 0, 0))],
        out_shape=[
            jax.ShapeDtypeStruct((N, D), jnp.float32),
            jax.ShapeDtypeStruct((NB, 1, D), jnp.float32),
            jax.ShapeDtypeStruct((NB, 1, D), jnp.float32),
        ],
    )(acc, g, dis, b)


def _tc_block_b(h, s, q, dis, gamma, beta, Wn, flags):
    def body(h_ref, s_ref, q_ref, dis_ref, gamma_ref, beta_ref, w_ref,
             flags_ref, out_ref):
        f_bn = flags_ref[0, 0] > 0.0
        f_last = flags_ref[0, 1] > 0.0
        mean = jnp.sum(s_ref[...], axis=0) * (1.0 / N)
        var = jnp.sum(q_ref[...], axis=0) * (1.0 / N) - mean * mean
        h = h_ref[...]
        hbn = (gamma_ref[...] * (h - mean) * lax.rsqrt(var + 1e-5)
               + beta_ref[...])
        hsel = jnp.where(f_bn, hbn, h)
        gn = jnp.dot(hsel, w_ref[...],
                     preferred_element_type=jnp.float32) * dis_ref[...]
        res = jnp.where(f_last, hsel, gn)
        out_ref[0] = res[:, :DH]
        out_ref[1] = res[:, DH:]
    return pl.pallas_call(
        body,
        grid=(NB,),
        in_specs=[_b_rows, _b_full((NB, 1, D)), _b_full((NB, 1, D)), _b_dis,
                  _b_row128, _b_row128, _b_full((D, D)), _b_full((1, 2))],
        out_specs=_b_acc,
        out_shape=jax.ShapeDtypeStruct((NC, N, DH), jnp.float32),
    )(h, s, q, dis, gamma, beta, Wn, flags)


def _tc_pool_body(h_ref, batch_ref, fcw_ref, fcb_ref, out_ref, ssum, cnt):
    i = pl.program_id(0)

    @pl.when(i == 0)
    def _init():
        ssum[...] = jnp.zeros((G, D), jnp.float32)
        cnt[...] = jnp.zeros((G, 128), jnp.float32)

    h = jnp.concatenate([h_ref[0], h_ref[1]], axis=1)
    gids = lax.broadcasted_iota(jnp.int32, (BN, G), 1)
    oht = (gids == batch_ref[...]).astype(jnp.float32)
    dn = (((0,), (0,)), ((), ()))
    ssum[...] += lax.dot_general(oht, h, dn, precision=_HI,
                                 preferred_element_type=jnp.float32)
    cnt[...] += lax.dot_general(oht, jnp.ones((BN, 1), jnp.float32), dn,
                                precision=_HI,
                                preferred_element_type=jnp.float32)

    @pl.when(i == NB - 1)
    def _fc():
        pooled = ssum[...] / jnp.maximum(cnt[:, :1], 1.0)
        out_ref[...] = jnp.dot(pooled, fcw_ref[...],
                               preferred_element_type=jnp.float32) + fcb_ref[...]


def _tc_pool(h, batch_row, fc_W, fc_b):
    return pl.pallas_call(
        _tc_pool_body,
        grid=(NB,),
        in_specs=[_b_acc, pl.BlockSpec((BN, 1), lambda i: (i, 0)),
                  _b_full((D, 10)), _b_full((1, 10))],
        out_specs=_b_full((G, 10)),
        out_shape=jax.ShapeDtypeStruct((G, 10), jnp.float32),
        scratch_shapes=[pltpu.VMEM((G, D), jnp.float32),
                        pltpu.VMEM((G, 128), jnp.float32)],
    )(h, batch_row, fc_W, fc_b)


def kernel(x, edge_index, batch, W1, b1, W2, b2, W3, b3,
           gamma1, beta1, gamma2, beta2, fc_W, fc_b):
    src_t = edge_index[0].astype(jnp.int32).reshape(NS, CPT, K)
    dst_t = edge_index[1].astype(jnp.int32).reshape(NS, CPT, K)
    dst_w = edge_index[1].astype(jnp.int32).reshape(NW, CPW, K)
    batch_col = batch.astype(jnp.int32).reshape(N, 1)

    deg_parts = _sc_degree(dst_w)
    degT = jnp.transpose(deg_parts)

    g1, dis = _tc_first(x, W1, degT)

    ones_r = jnp.ones((1, D), jnp.float32)
    zeros_r = jnp.zeros((1, D), jnp.float32)
    Wn_stack = jnp.stack([W2, W3, W3])
    b_stack = jnp.stack([b1.reshape(1, D), b2.reshape(1, D), b3.reshape(1, D)])
    gamma_stack = jnp.stack([ones_r, gamma1.reshape(1, D), gamma2.reshape(1, D)])
    beta_stack = jnp.stack([zeros_r, beta1.reshape(1, D), beta2.reshape(1, D)])
    flag_stack = jnp.array([[[0.0, 0.0]], [[1.0, 0.0]], [[1.0, 1.0]]],
                           jnp.float32)

    def body(l, g):
        acc = _sc_scatter(g, src_t, dst_t)
        Wl = lax.dynamic_index_in_dim(Wn_stack, l, 0, keepdims=False)
        bl = lax.dynamic_index_in_dim(b_stack, l, 0, keepdims=False)
        gml = lax.dynamic_index_in_dim(gamma_stack, l, 0, keepdims=False)
        btl = lax.dynamic_index_in_dim(beta_stack, l, 0, keepdims=False)
        fl = lax.dynamic_index_in_dim(flag_stack, l, 0, keepdims=False)
        h, s, q = _tc_block_a(acc, g, dis, bl)
        return _tc_block_b(h, s, q, dis, gml, btl, Wl, fl)

    h3 = lax.fori_loop(0, 3, body, g1)
    return _tc_pool(h3, batch_col, fc_W, fc_b.reshape(1, 10))

# --- scband reference (transcript-rebuilt; emitter-appended) ---
"""Pipeline reference for scband-gcnmodel-59785944760955 (READ-ONLY COPY).

The authoritative reference and input builder live on the scoring server;
editing this copy changes nothing except your own understanding.
"""

import jax, jax.numpy as jnp
import numpy as np

N_NODES = 10000
N_EDGES = 320000
D_IN = 128
H1, H2, H3 = 128, 128, 128
NUM_CLASSES = 10
NUM_GRAPHS = 64


def gcn_conv(x, edge_index, W, b):
    n = x.shape[0]
    loop = jnp.arange(n, dtype=edge_index.dtype)
    src = jnp.concatenate([edge_index[0], loop])
    dst = jnp.concatenate([edge_index[1], loop])
    deg = jax.ops.segment_sum(jnp.ones(src.shape[0], dtype=x.dtype), dst, num_segments=n)
    dis = jnp.where(deg > 0, 1.0 / jnp.sqrt(deg), 0.0)
    norm = dis[src] * dis[dst]
    h = x @ W
    msg = h[src] * norm[:, None]
    out = jax.ops.segment_sum(msg, dst, num_segments=n)
    return out + b


def batch_norm(x, gamma, beta, eps=1e-5):
    mean = jnp.mean(x, axis=0)
    var = jnp.var(x, axis=0)
    return gamma * (x - mean) / jnp.sqrt(var + eps) + beta


def global_mean_pool(x, batch, num_graphs):
    s = jax.ops.segment_sum(x, batch, num_segments=num_graphs)
    cnt = jax.ops.segment_sum(jnp.ones(x.shape[0], dtype=x.dtype), batch, num_segments=num_graphs)
    return s / jnp.clip(cnt, 1.0)[:, None]


def setup_inputs(seed: int = 0) -> dict:
    key = jax.random.key(seed)
    ks = jax.random.split(key, 16)
    x = jax.random.normal(ks[0], (N_NODES, D_IN), dtype=jnp.float32)
    edge_index = jax.random.randint(ks[1], (2, N_EDGES), 0, N_NODES, dtype=jnp.int64)
    batch = jnp.sort(jax.random.randint(ks[2], (N_NODES,), 0, NUM_GRAPHS, dtype=jnp.int64))
    def glorot(k, fan_in, fan_out):
        lim = jnp.sqrt(6.0 / (fan_in + fan_out))
        return jax.random.uniform(k, (fan_in, fan_out), jnp.float32, -lim, lim)
    return {
        "x": x,
        "edge_index": edge_index,
        "batch": batch,
        "W1": glorot(ks[3], D_IN, H1), "b1": jnp.zeros((H1,), jnp.float32),
        "W2": glorot(ks[4], H1, H2), "b2": jnp.zeros((H2,), jnp.float32),
        "W3": glorot(ks[5], H2, H3), "b3": jnp.zeros((H3,), jnp.float32),
        "gamma1": jnp.ones((H2,), jnp.float32), "beta1": jnp.zeros((H2,), jnp.float32),
        "gamma2": jnp.ones((H3,), jnp.float32), "beta2": jnp.zeros((H3,), jnp.float32),
        "fc_W": glorot(ks[6], H3, NUM_CLASSES), "fc_b": jnp.zeros((NUM_CLASSES,), jnp.float32),
    }


def reference(x, edge_index, batch, W1, b1, W2, b2, W3, b3, gamma1, beta1, gamma2, beta2, fc_W, fc_b):
    h = jax.nn.relu(gcn_conv(x, edge_index, W1, b1))
    h = jax.nn.relu(gcn_conv(h, edge_index, W2, b2))
    h = batch_norm(h, gamma1, beta1)
    h = jax.nn.relu(gcn_conv(h, edge_index, W3, b3))
    h = batch_norm(h, gamma2, beta2)
    h = global_mean_pool(h, batch, NUM_GRAPHS)
    return h @ fc_W + fc_b

if __name__ == "__main__":
    import jax
    _d = setup_inputs()
    print(jax.jit(kernel)(*tuple(_d.values())))

</pallas_src>

<mosaic_0001>
#map = affine_map<(d0, d1) -> (0, 0, 0)>
#map1 = affine_map<(d0, d1) -> (0, 0)>
module attributes {stable_mosaic.version = 14 : i64} {
  func.func @_sc_degree(%arg0: i32, %arg1: i32, %arg2: memref<32x125x80xi32, #tpu.memory_space<hbm>>, %arg3: memref<2x10000xf32, #tpu.memory_space<hbm>>, %arg4: memref<125x80xi32, #tpu.memory_space<vmem>>, %arg5: memref<80xf32, #tpu.memory_space<vmem>>, %arg6: memref<10000xf32, #tpu.memory_space<vmem>>, %arg7: memref<10000xf32, #tpu.memory_space<vmem_shared>>) attributes {dimension_semantics = [#tpu.dimension_semantics<core_parallel>, #tpu.dimension_semantics<subcore_parallel>], iteration_bounds = array<i64: 2, 16>, scalar_prefetch = 0 : i64, scratch_operands = 4 : i64, tpu.core_type = #tpu.core_type<sc_vector_subcore>, window_params = [{transform_indices = #map}, {transform_indices = #map1}]} {
    %mul3A = arith.constant 16 : i32
    %mul3A_0 = arith.muli %arg0, %mul3A : i32
    %add3A = arith.addi %mul3A_0, %arg1 : i32
    %broadcast_in_dim3A = arith.constant 1.000000e+00 : f32
    %broadcast_in_dim3A_1 = vector.broadcast %broadcast_in_dim3A : f32 to vector<16xf32>
    %swap3A = arith.constant 0 : index
    %swap3A_2 = tpu.vector_load %arg5[%swap3A] {strides = array<i32>} : memref<80xf32, #tpu.memory_space<vmem>>, vector<16xf32>,
    %swap3A_3 = vector.shape_cast %swap3A_2 : vector<16xf32> to vector<16xf32>
    %swap3A_4 = vector.shape_cast %broadcast_in_dim3A_1 : vector<16xf32> to vector<16xf32>
    tpu.vector_store %arg5[%swap3A], %swap3A_4 {strides = array<i32>} : memref<80xf32, #tpu.memory_space<vmem>>, vector<16xf32>,
    %broadcast_in_dim3A_5 = arith.constant 1.000000e+00 : f32
    %broadcast_in_dim3A_6 = vector.broadcast %broadcast_in_dim3A_5 : f32 to vector<16xf32>
    %swap3A_7 = arith.constant 16 : index
    %swap3A_8 = tpu.vector_load %arg5[%swap3A_7] {strides = array<i32>} : memref<80xf32, #tpu.memory_space<vmem>>, vector<16xf32>,
    %swap3A_9 = vector.shape_cast %swap3A_8 : vector<16xf32> to vector<16xf32>
    %swap3A_10 = vector.shape_cast %broadcast_in_dim3A_6 : vector<16xf32> to vector<16xf32>
    tpu.vector_store %arg5[%swap3A_7], %swap3A_10 {strides = array<i32>} : memref<80xf32, #tpu.memory_space<vmem>>, vector<16xf32>,
    %broadcast_in_dim3A_11 = arith.constant 1.000000e+00 : f32
    %broadcast_in_dim3A_12 = vector.broadcast %broadcast_in_dim3A_11 : f32 to vector<16xf32>
    %swap3A_13 = arith.constant 32 : index
    %swap3A_14 = tpu.vector_load %arg5[%swap3A_13] {strides = array<i32>} : memref<80xf32, #tpu.memory_space<vmem>>, vector<16xf32>,
    %swap3A_15 = vector.shape_cast %swap3A_14 : vector<16xf32> to vector<16xf32>
    %swap3A_16 = vector.shape_cast %broadcast_in_dim3A_12 : vector<16xf32> to vector<16xf32>
    tpu.vector_store %arg5[%swap3A_13], %swap3A_16 {strides = array<i32>} : memref<80xf32, #tpu.memory_space<vmem>>, vector<16xf32>,
    %broadcast_in_dim3A_17 = arith.constant 1.000000e+00 : f32
    %broadcast_in_dim3A_18 = vector.broadcast %broadcast_in_dim3A_17 : f32 to vector<16xf32>
    %swap3A_19 = arith.constant 48 : index
    %swap3A_20 = tpu.vector_load %arg5[%swap3A_19] {strides = array<i32>} : memref<80xf32, #tpu.memory_space<vmem>>, vector<16xf32>,
    %swap3A_21 = vector.shape_cast %swap3A_20 : vector<16xf32> to vector<16xf32>
    %swap3A_22 = vector.shape_cast %broadcast_in_dim3A_18 : vector<16xf32> to vector<16xf32>
    tpu.vector_store %arg5[%swap3A_19], %swap3A_22 {strides = array<i32>} : memref<80xf32, #tpu.memory_space<vmem>>, vector<16xf32>,
    %broadcast_in_dim3A_23 = arith.constant 1.000000e+00 : f32
    %broadcast_in_dim3A_24 = vector.broadcast %broadcast_in_dim3A_23 : f32 to vector<16xf32>
    %swap3A_25 = arith.constant 64 : index
    %swap3A_26 = tpu.vector_load %arg5[%swap3A_25] {strides = array<i32>} : memref<80xf32, #tpu.memory_space<vmem>>, vector<16xf32>,
    %swap3A_27 = vector.shape_cast %swap3A_26 : vector<16xf32> to vector<16xf32>
    %swap3A_28 = vector.shape_cast %broadcast_in_dim3A_24 : vector<16xf32> to vector<16xf32>
    tpu.vector_store %arg5[%swap3A_25], %swap3A_28 {strides = array<i32>} : memref<80xf32, #tpu.memory_space<vmem>>, vector<16xf32>,
    %eq3A = arith.constant 0 : i32
    %eq3A_29 = arith.cmpi eq, %arg1, %eq3A : i32
    %convert_element_type3A = arith.extui %eq3A_29 : i1 to i32
    %cond3A = arith.constant 0 : i32
    %cond3A_30 = arith.cmpi ne, %convert_element_type3A, %cond3A : i32
    scf.if %cond3A_30 {
      %scan3A_43 = arith.constant 0 : i32
      %scan3A_44 = arith.constant 0 : i32
      %scan3A_45 = arith.constant 625 : i32
      %scan3A_46 = arith.addi %scan3A_44, %scan3A_45 : i32
      %scan3A_47 = arith.constant 1 : i32
      %scan3A_48 = scf.for %scan3A_50 = %scan3A_44 to %scan3A_46 step %scan3A_47 iter_args(%scan3A_51 = %scan3A_43) -> (i32)  : i32 {
        %broadcast_in_dim3A_52 = arith.constant 0.000000e+00 : f32
        %broadcast_in_dim3A_53 = vector.broadcast %broadcast_in_dim3A_52 : f32 to vector<16xf32>
        %mul3A_54 = arith.constant 16 : i32
        %mul3A_55 = arith.muli %scan3A_50, %mul3A_54 : i32
        %swap3A_56 = arith.index_cast %mul3A_55 : i32 to index
        %swap3A_57 = tpu.vector_load %arg6[%swap3A_56] {strides = array<i32>} : memref<10000xf32, #tpu.memory_space<vmem>>, vector<16xf32>,
        %swap3A_58 = vector.shape_cast %swap3A_57 : vector<16xf32> to vector<16xf32>
        %swap3A_59 = vector.shape_cast %broadcast_in_dim3A_53 : vector<16xf32> to vector<16xf32>
        tpu.vector_store %arg6[%swap3A_56], %swap3A_59 {strides = array<i32>} : memref<10000xf32, #tpu.memory_space<vmem>>, vector<16xf32>,
        %scan3A_60 = arith.constant 0 : i32
        scf.yield %scan3A_60 : i32
      }
      %scan3A_49 = arith.constant 625 : i32
      "tpu.region"() ({
        %run_scoped3A = tpu.sem_alloc : memref<!tpu.dma_semaphore, #tpu.memory_space<semaphore_mem>>
        tpu.enqueue_dma source(%arg6 : memref<10000xf32, #tpu.memory_space<vmem>>) target(%arg7 : memref<10000xf32, #tpu.memory_space<vmem_shared>>) target_semaphore(%run_scoped3A : memref<!tpu.dma_semaphore, #tpu.memory_space<semaphore_mem>>)
        tpu.wait_dma2 semaphore(%run_scoped3A : memref<!tpu.dma_semaphore, #tpu.memory_space<semaphore_mem>>) src(%arg6 : memref<10000xf32, #tpu.memory_space<vmem>>) dst(%arg7 : memref<10000xf32, #tpu.memory_space<vmem_shared>>)
        tpu.yield
      }) : () -> ()
    } else {
    }
    "tpu.region"() ({
      %run_scoped3A = tpu.sem_alloc : memref<!tpu.dma_semaphore, #tpu.memory_space<semaphore_mem>>
      %dma_start3A = arith.constant 0 : i32
      %dma_start3A_43 = arith.constant 0 : i32
      %dma_start3A_44 = tpu.memref_slice %arg2[%add3A, %dma_start3A, %dma_start3A_43] : memref<32x125x80xi32, #tpu.memory_space<hbm>> -> memref<1x125x80xi32, #tpu.memory_space<hbm>>
      %dma_start3A_45 = tpu.memref_squeeze %dma_start3A_44 : memref<1x125x80xi32, #tpu.memory_space<hbm>> -> memref<125x80xi32, #tpu.memory_space<hbm>>
      %dma_start3A_46 = arith.constant 0 : i32
      %dma_start3A_47 = arith.constant 0 : i32
      %dma_start3A_48 = tpu.memref_slice %arg2[%add3A, %dma_start3A_46, %dma_start3A_47] : memref<32x125x80xi32, #tpu.memory_space<hbm>> -> memref<1x125x80xi32, #tpu.memory_space<hbm>>
      %dma_start3A_49 = tpu.memref_squeeze %dma_start3A_48 : memref<1x125x80xi32, #tpu.memory_space<hbm>> -> memref<125x80xi32, #tpu.memory_space<hbm>>
      tpu.enqueue_dma source(%dma_start3A_49 : memref<125x80xi32, #tpu.memory_space<hbm>>) target(%arg4 : memref<125x80xi32, #tpu.memory_space<vmem>>) target_semaphore(%run_scoped3A : memref<!tpu.dma_semaphore, #tpu.memory_space<semaphore_mem>>)
      %dma_wait3A = arith.constant 0 : i32
      %dma_wait3A_50 = arith.constant 0 : i32
      %dma_wait3A_51 = tpu.memref_slice %arg2[%add3A, %dma_wait3A, %dma_wait3A_50] : memref<32x125x80xi32, #tpu.memory_space<hbm>> -> memref<1x125x80xi32, #tpu.memory_space<hbm>>
      %dma_wait3A_52 = tpu.memref_squeeze %dma_wait3A_51 : memref<1x125x80xi32, #tpu.memory_space<hbm>> -> memref<125x80xi32, #tpu.memory_space<hbm>>
      %dma_wait3A_53 = arith.constant 0 : i32
      %dma_wait3A_54 = arith.constant 0 : i32
      %dma_wait3A_55 = tpu.memref_slice %arg2[%add3A, %dma_wait3A_53, %dma_wait3A_54] : memref<32x125x80xi32, #tpu.memory_space<hbm>> -> memref<1x125x80xi32, #tpu.memory_space<hbm>>
      %dma_wait3A_56 = tpu.memref_squeeze %dma_wait3A_55 : memref<1x125x80xi32, #tpu.memory_space<hbm>> -> memref<125x80xi32, #tpu.memory_space<hbm>>
      tpu.wait_dma2 semaphore(%run_scoped3A : memref<!tpu.dma_semaphore, #tpu.memory_space<semaphore_mem>>) src(%dma_wait3A_56 : memref<125x80xi32, #tpu.memory_space<hbm>>) dst(%arg4 : memref<125x80xi32, #tpu.memory_space<vmem>>)
      tpu.yield
    }) : () -> ()
    %barrier3A = arith.constant 0 : index
    tpu.barrier barrier_id(%barrier3A)
    %scan3A = arith.constant 0 : i32
    %scan3A_31 = arith.constant 0 : i32
    %scan3A_32 = arith.constant 125 : i32
    %scan3A_33 = arith.addi %scan3A_31, %scan3A_32 : i32
    %scan3A_34 = arith.constant 1 : i32
    %scan3A_35 = scf.for %scan3A_43 = %scan3A_31 to %scan3A_33 step %scan3A_34 iter_args(%scan3A_44 = %scan3A) -> (i32)  : i32 {
      "tpu.region"() ({
        %run_scoped3A = tpu.sem_alloc : memref<!tpu.dma_semaphore, #tpu.memory_space<semaphore_mem>>
        %dma_start3A = arith.constant 0 : i32
        %dma_start3A_46 = tpu.memref_slice %arg4[%scan3A_43, %dma_start3A] : memref<125x80xi32, #tpu.memory_space<vmem>> -> memref<1x80xi32, #tpu.memory_space<vmem>>
        %dma_start3A_47 = tpu.memref_squeeze %dma_start3A_46 : memref<1x80xi32, #tpu.memory_space<vmem>> -> memref<80xi32, #tpu.memory_space<vmem>>
        %dma_start3A_48 = arith.constant 0 : i32
        %dma_start3A_49 = tpu.memref_slice %arg7[%dma_start3A_48] : memref<10000xf32, #tpu.memory_space<vmem_shared>> -> memref<10000xf32, #tpu.memory_space<vmem_shared>>
        tpu.enqueue_indirect_dma source(%arg5 : memref<80xf32, #tpu.memory_space<vmem>>) target(%dma_start3A_49 : memref<10000xf32, #tpu.memory_space<vmem_shared>>) offsets(%dma_start3A_47 : memref<80xi32, #tpu.memory_space<vmem>>) semaphore(%run_scoped3A : memref<!tpu.dma_semaphore, #tpu.memory_space<semaphore_mem>>) {add = true}
        %dma_wait3A = arith.constant 0 : i32
        %dma_wait3A_50 = tpu.memref_slice %arg4[%scan3A_43, %dma_wait3A] : memref<125x80xi32, #tpu.memory_space<vmem>> -> memref<1x80xi32, #tpu.memory_space<vmem>>
        %dma_wait3A_51 = tpu.memref_squeeze %dma_wait3A_50 : memref<1x80xi32, #tpu.memory_space<vmem>> -> memref<80xi32, #tpu.memory_space<vmem>>
        %dma_wait3A_52 = arith.constant 0 : i32
        %dma_wait3A_53 = tpu.memref_slice %arg7[%dma_wait3A_52] : memref<10000xf32, #tpu.memory_space<vmem_shared>> -> memref<10000xf32, #tpu.memory_space<vmem_shared>>
        tpu.wait_indirect_dma semaphore(%run_scoped3A : memref<!tpu.dma_semaphore, #tpu.memory_space<semaphore_mem>>) src(%arg5 : memref<80xf32, #tpu.memory_space<vmem>>) dst(%dma_wait3A_53 : memref<10000xf32, #tpu.memory_space<vmem_shared>>)
        tpu.yield
      }) : () -> ()
      %scan3A_45 = arith.constant 0 : i32
      scf.yield %scan3A_45 : i32
    }
    %scan3A_36 = arith.constant 125 : i32
    %barrier3A_37 = arith.constant 0 : index
    tpu.barrier barrier_id(%barrier3A_37)
    %eq3A_38 = arith.constant 0 : i32
    %eq3A_39 = arith.cmpi eq, %arg1, %eq3A_38 : i32
    %convert_element_type3A_40 = arith.extui %eq3A_39 : i1 to i32
    %cond3A_41 = arith.constant 0 : i32
    %cond3A_42 = arith.cmpi ne, %convert_element_type3A_40, %cond3A_41 : i32
    scf.if %cond3A_42 {
      "tpu.region"() ({
        %run_scoped3A = tpu.sem_alloc : memref<!tpu.dma_semaphore, #tpu.memory_space<semaphore_mem>>
        %dma_start3A = arith.constant 0 : i32
        %dma_start3A_43 = tpu.memref_slice %arg3[%arg0, %dma_start3A] : memref<2x10000xf32, #tpu.memory_space<hbm>> -> memref<1x10000xf32, #tpu.memory_space<hbm>>
        %dma_start3A_44 = tpu.memref_squeeze %dma_start3A_43 : memref<1x10000xf32, #tpu.memory_space<hbm>> -> memref<10000xf32, #tpu.memory_space<hbm>>
        tpu.enqueue_dma source(%arg7 : memref<10000xf32, #tpu.memory_space<vmem_shared>>) target(%dma_start3A_44 : memref<10000xf32, #tpu.memory_space<hbm>>) target_semaphore(%run_scoped3A : memref<!tpu.dma_semaphore, #tpu.memory_space<semaphore_mem>>)
        %dma_wait3A = arith.constant 0 : i32
        %dma_wait3A_45 = tpu.memref_slice %arg3[%arg0, %dma_wait3A] : memref<2x10000xf32, #tpu.memory_space<hbm>> -> memref<1x10000xf32, #tpu.memory_space<hbm>>
        %dma_wait3A_46 = tpu.memref_squeeze %dma_wait3A_45 : memref<1x10000xf32, #tpu.memory_space<hbm>> -> memref<10000xf32, #tpu.memory_space<hbm>>
        tpu.wait_dma2 semaphore(%run_scoped3A : memref<!tpu.dma_semaphore, #tpu.memory_space<semaphore_mem>>) src(%arg7 : memref<10000xf32, #tpu.memory_space<vmem_shared>>) dst(%dma_wait3A_46 : memref<10000xf32, #tpu.memory_space<hbm>>)
        tpu.yield
      }) : () -> ()
    } else {
    }
    return
  }
}

#map = affine_map<(d0, d1) -> (0, 0, 0)>
module attributes {stable_mosaic.version = 14 : i64} {
  func.func @_sc_scatter(%arg0: i32, %arg1: i32, %arg2: memref<2x10000x64xf32, #tpu.memory_space<hbm>>, %arg3: memref<16x250x80xi32, #tpu.memory_space<hbm>>, %arg4: memref<16x250x80xi32, #tpu.memory_space<hbm>>, %arg5: memref<2x10000x64xf32, #tpu.memory_space<hbm>>, %arg6: memref<250x80xi32, #tpu.memory_space<vmem>>, %arg7: memref<250x80xi32, #tpu.memory_space<vmem>>, %arg8: memref<80x64xf32, #tpu.memory_space<vmem>>, %arg9: memref<80x64xf32, #tpu.memory_space<vmem>>, %arg10: memref<80x64xf32, #tpu.memory_space<vmem>>, %arg11: memref<80x64xf32, #tpu.memory_space<vmem>>, %arg12: memref<80x64xf32, #tpu.memory_space<vmem>>, %arg13: memref<208x64xf32, #tpu.memory_space<vmem>>, %arg14: memref<10000x64xf32, #tpu.memory_space<vmem_shared>>, %arg15: memref<!tpu.dma_semaphore, #tpu.memory_space<semaphore_mem>>, %arg16: memref<!tpu.dma_semaphore, #tpu.memory_space<semaphore_mem>>, %arg17: memref<!tpu.dma_semaphore, #tpu.memory_space<semaphore_mem>>, %arg18: memref<!tpu.dma_semaphore, #tpu.memory_space<semaphore_mem>>, %arg19: memref<!tpu.dma_semaphore, #tpu.memory_space<semaphore_mem>>) attributes {dimension_semantics = [#tpu.dimension_semantics<core_parallel>, #tpu.dimension_semantics<subcore_parallel>], iteration_bounds = array<i64: 2, 16>, scalar_prefetch = 0 : i64, scratch_operands = 14 : i64, tpu.core_type = #tpu.core_type<sc_vector_subcore>, window_params = [{transform_indices = #map}, {transform_indices = #map}, {transform_indices = #map}, {transform_indices = #map}]} {
    %scan3A = arith.constant 0 : i32
    %scan3A_0 = arith.constant 0 : i32
    %scan3A_1 = arith.constant 208 : i32
    %scan3A_2 = arith.addi %scan3A_0, %scan3A_1 : i32
    %scan3A_3 = arith.constant 1 : i32
    %scan3A_4 = scf.for %scan3A_89 = %scan3A_0 to %scan3A_2 step %scan3A_3 iter_args(%scan3A_90 = %scan3A) -> (i32)  : i32 {
      %broadcast_in_dim3A = arith.constant 0.000000e+00 : f32
      %broadcast_in_dim3A_91 = vector.broadcast %broadcast_in_dim3A : f32 to vector<16xf32>
      %swap3A = arith.index_cast %scan3A_89 : i32 to index
      %swap3A_92 = arith.constant 0 : index
      %swap3A_93 = tpu.vector_load %arg13[%swap3A, %swap3A_92] {strides = array<i32>} : memref<208x64xf32, #tpu.memory_space<vmem>>, vector<1x16xf32>,
      %swap3A_94 = vector.shape_cast %swap3A_93 : vector<1x16xf32> to vector<16xf32>
      %swap3A_95 = vector.shape_cast %broadcast_in_dim3A_91 : vector<16xf32> to vector<1x16xf32>
      tpu.vector_store %arg13[%swap3A, %swap3A_92], %swap3A_95 {strides = array<i32>} : memref<208x64xf32, #tpu.memory_space<vmem>>, vector<1x16xf32>,
      %broadcast_in_dim3A_96 = arith.constant 0.000000e+00 : f32
      %broadcast_in_dim3A_97 = vector.broadcast %broadcast_in_dim3A_96 : f32 to vector<16xf32>
      %swap3A_98 = arith.index_cast %scan3A_89 : i32 to index
      %swap3A_99 = arith.constant 16 : index
      %swap3A_100 = tpu.vector_load %arg13[%swap3A_98, %swap3A_99] {strides = array<i32>} : memref<208x64xf32, #tpu.memory_space<vmem>>, vector<1x16xf32>,
      %swap3A_101 = vector.shape_cast %swap3A_100 : vector<1x16xf32> to vector<16xf32>
      %swap3A_102 = vector.shape_cast %broadcast_in_dim3A_97 : vector<16xf32> to vector<1x16xf32>
      tpu.vector_store %arg13[%swap3A_98, %swap3A_99], %swap3A_102 {strides = array<i32>} : memref<208x64xf32, #tpu.memory_space<vmem>>, vector<1x16xf32>,
      %broadcast_in_dim3A_103 = arith.constant 0.000000e+00 : f32
      %broadcast_in_dim3A_104 = vector.broadcast %broadcast_in_dim3A_103 : f32 to vector<16xf32>
      %swap3A_105 = arith.index_cast %scan3A_89 : i32 to index
      %swap3A_106 = arith.constant 32 : index
      %swap3A_107 = tpu.vector_load %arg13[%swap3A_105, %swap3A_106] {strides = array<i32>} : memref<208x64xf32, #tpu.memory_space<vmem>>, vector<1x16xf32>,
      %swap3A_108 = vector.shape_cast %swap3A_107 : vector<1x16xf32> to vector<16xf32>
      %swap3A_109 = vector.shape_cast %broadcast_in_dim3A_104 : vector<16xf32> to vector<1x16xf32>
      tpu.vector_store %arg13[%swap3A_105, %swap3A_106], %swap3A_109 {strides = array<i32>} : memref<208x64xf32, #tpu.memory_space<vmem>>, vector<1x16xf32>,
      %broadcast_in_dim3A_110 = arith.constant 0.000000e+00 : f32
      %broadcast_in_dim3A_111 = vector.broadcast %broadcast_in_dim3A_110 : f32 to vector<16xf32>
      %swap3A_112 = arith.index_cast %scan3A_89 : i32 to index
      %swap3A_113 = arith.constant 48 : index
      %swap3A_114 = tpu.vector_load %arg13[%swap3A_112, %swap3A_113] {strides = array<i32>} : memref<208x64xf32, #tpu.memory_space<vmem>>, vector<1x16xf32>,
      %swap3A_115 = vector.shape_cast %swap3A_114 : vector<1x16xf32> to vector<16xf32>
      %swap3A_116 = vector.shape_cast %broadcast_in_dim3A_111 : vector<16xf32> to vector<1x16xf32>
      tpu.vector_store %arg13[%swap3A_112, %swap3A_113], %swap3A_116 {strides = array<i32>} : memref<208x64xf32, #tpu.memory_space<vmem>>, vector<1x16xf32>,
      %scan3A_117 = arith.constant 0 : i32
      scf.yield %scan3A_117 : i32
    }
    %scan3A_5 = arith.constant 208 : i32
    %mul3A = arith.constant 624 : i32
    %mul3A_6 = arith.muli %arg1, %mul3A : i32
    %add3A = arith.constant 0 : i32
    %add3A_7 = arith.addi %mul3A_6, %add3A : i32
    "tpu.region"() ({
      %run_scoped3A = tpu.sem_alloc : memref<!tpu.dma_semaphore, #tpu.memory_space<semaphore_mem>>
      %dma_start3A_89 = arith.constant 0 : i32
      %dma_start3A_90 = tpu.memref_slice %arg14[%add3A_7, %dma_start3A_89] : memref<10000x64xf32, #tpu.memory_space<vmem_shared>> -> memref<208x64xf32, #tpu.memory_space<vmem_shared>>
      %dma_start3A_91 = arith.constant 0 : i32
      %dma_start3A_92 = tpu.memref_slice %arg14[%add3A_7, %dma_start3A_91] : memref<10000x64xf32, #tpu.memory_space<vmem_shared>> -> memref<208x64xf32, #tpu.memory_space<vmem_shared>>
      tpu.enqueue_dma source(%arg13 : memref<208x64xf32, #tpu.memory_space<vmem>>) target(%dma_start3A_92 : memref<208x64xf32, #tpu.memory_space<vmem_shared>>) target_semaphore(%run_scoped3A : memref<!tpu.dma_semaphore, #tpu.memory_space<semaphore_mem>>)
      %dma_wait3A = arith.constant 0 : i32
      %dma_wait3A_93 = tpu.memref_slice %arg14[%add3A_7, %dma_wait3A] : memref<10000x64xf32, #tpu.memory_space<vmem_shared>> -> memref<208x64xf32, #tpu.memory_space<vmem_shared>>
      %dma_wait3A_94 = arith.constant 0 : i32
      %dma_wait3A_95 = tpu.memref_slice %arg14[%add3A_7, %dma_wait3A_94] : memref<10000x64xf32, #tpu.memory_space<vmem_shared>> -> memref<208x64xf32, #tpu.memory_space<vmem_shared>>
      tpu.wait_dma2 semaphore(%run_scoped3A : memref<!tpu.dma_semaphore, #tpu.memory_space<semaphore_mem>>) src(%arg13 : memref<208x64xf32, #tpu.memory_space<vmem>>) dst(%dma_wait3A_95 : memref<208x64xf32, #tpu.memory_space<vmem_shared>>)
      tpu.yield
    }) : () -> ()
    %mul3A_8 = arith.constant 624 : i32
    %mul3A_9 = arith.muli %arg1, %mul3A_8 : i32
    %add3A_10 = arith.constant 208 : i32
    %add3A_11 = arith.addi %mul3A_9, %add3A_10 : i32
    "tpu.region"() ({
      %run_scoped3A = tpu.sem_alloc : memref<!tpu.dma_semaphore, #tpu.memory_space<semaphore_mem>>
      %dma_start3A_89 = arith.constant 0 : i32
      %dma_start3A_90 = tpu.memref_slice %arg14[%add3A_11, %dma_start3A_89] : memref<10000x64xf32, #tpu.memory_space<vmem_shared>> -> memref<208x64xf32, #tpu.memory_space<vmem_shared>>
      %dma_start3A_91 = arith.constant 0 : i32
      %dma_start3A_92 = tpu.memref_slice %arg14[%add3A_11, %dma_start3A_91] : memref<10000x64xf32, #tpu.memory_space<vmem_shared>> -> memref<208x64xf32, #tpu.memory_space<vmem_shared>>
      tpu.enqueue_dma source(%arg13 : memref<208x64xf32, #tpu.memory_space<vmem>>) target(%dma_start3A_92 : memref<208x64xf32, #tpu.memory_space<vmem_shared>>) target_semaphore(%run_scoped3A : memref<!tpu.dma_semaphore, #tpu.memory_space<semaphore_mem>>)
      %dma_wait3A = arith.constant 0 : i32
      %dma_wait3A_93 = tpu.memref_slice %arg14[%add3A_11, %dma_wait3A] : memref<10000x64xf32, #tpu.memory_space<vmem_shared>> -> memref<208x64xf32, #tpu.memory_space<vmem_shared>>
      %dma_wait3A_94 = arith.constant 0 : i32
      %dma_wait3A_95 = tpu.memref_slice %arg14[%add3A_11, %dma_wait3A_94] : memref<10000x64xf32, #tpu.memory_space<vmem_shared>> -> memref<208x64xf32, #tpu.memory_space<vmem_shared>>
      tpu.wait_dma2 semaphore(%run_scoped3A : memref<!tpu.dma_semaphore, #tpu.memory_space<semaphore_mem>>) src(%arg13 : memref<208x64xf32, #tpu.memory_space<vmem>>) dst(%dma_wait3A_95 : memref<208x64xf32, #tpu.memory_space<vmem_shared>>)
      tpu.yield
    }) : () -> ()
    %mul3A_12 = arith.constant 624 : i32
    %mul3A_13 = arith.muli %arg1, %mul3A_12 : i32
    %add3A_14 = arith.constant 416 : i32
    %add3A_15 = arith.addi %mul3A_13, %add3A_14 : i32
    "tpu.region"() ({
      %run_scoped3A = tpu.sem_alloc : memref<!tpu.dma_semaphore, #tpu.memory_space<semaphore_mem>>
      %dma_start3A_89 = arith.constant 0 : i32
      %dma_start3A_90 = tpu.memref_slice %arg14[%add3A_15, %dma_start3A_89] : memref<10000x64xf32, #tpu.memory_space<vmem_shared>> -> memref<208x64xf32, #tpu.memory_space<vmem_shared>>
      %dma_start3A_91 = arith.constant 0 : i32
      %dma_start3A_92 = tpu.memref_slice %arg14[%add3A_15, %dma_start3A_91] : memref<10000x64xf32, #tpu.memory_space<vmem_shared>> -> memref<208x64xf32, #tpu.memory_space<vmem_shared>>
      tpu.enqueue_dma source(%arg13 : memref<208x64xf32, #tpu.memory_space<vmem>>) target(%dma_start3A_92 : memref<208x64xf32, #tpu.memory_space<vmem_shared>>) target_semaphore(%run_scoped3A : memref<!tpu.dma_semaphore, #tpu.memory_space<semaphore_mem>>)
      %dma_wait3A = arith.constant 0 : i32
      %dma_wait3A_93 = tpu.memref_slice %arg14[%add3A_15, %dma_wait3A] : memref<10000x64xf32, #tpu.memory_space<vmem_shared>> -> memref<208x64xf32, #tpu.memory_space<vmem_shared>>
      %dma_wait3A_94 = arith.constant 0 : i32
      %dma_wait3A_95 = tpu.memref_slice %arg14[%add3A_15, %dma_wait3A_94] : memref<10000x64xf32, #tpu.memory_space<vmem_shared>> -> memref<208x64xf32, #tpu.memory_space<vmem_shared>>
      tpu.wait_dma2 semaphore(%run_scoped3A : memref<!tpu.dma_semaphore, #tpu.memory_space<semaphore_mem>>) src(%arg13 : memref<208x64xf32, #tpu.memory_space<vmem>>) dst(%dma_wait3A_95 : memref<208x64xf32, #tpu.memory_space<vmem_shared>>)
      tpu.yield
    }) : () -> ()
    %eq3A = arith.constant 0 : i32
    %eq3A_16 = arith.cmpi eq, %arg1, %eq3A : i32
    %convert_element_type3A = arith.extui %eq3A_16 : i1 to i32
    %cond3A = arith.constant 0 : i32
    %cond3A_17 = arith.cmpi ne, %convert_element_type3A, %cond3A : i32
    scf.if %cond3A_17 {
      "tpu.region"() ({
        %run_scoped3A = tpu.sem_alloc : memref<!tpu.dma_semaphore, #tpu.memory_space<semaphore_mem>>
        %dma_start3A_89 = arith.constant 0 : i32
        %dma_start3A_90 = arith.constant 0 : i32
        %dma_start3A_91 = tpu.memref_slice %arg13[%dma_start3A_89, %dma_start3A_90] : memref<208x64xf32, #tpu.memory_space<vmem>> -> memref<16x64xf32, #tpu.memory_space<vmem>>
        %dma_start3A_92 = arith.constant 9984 : i32
        %dma_start3A_93 = arith.constant 0 : i32
        %dma_start3A_94 = tpu.memref_slice %arg14[%dma_start3A_92, %dma_start3A_93] : memref<10000x64xf32, #tpu.memory_space<vmem_shared>> -> memref<16x64xf32, #tpu.memory_space<vmem_shared>>
        %dma_start3A_95 = arith.constant 9984 : i32
        %dma_start3A_96 = arith.constant 0 : i32
        %dma_start3A_97 = tpu.memref_slice %arg14[%dma_start3A_95, %dma_start3A_96] : memref<10000x64xf32, #tpu.memory_space<vmem_shared>> -> memref<16x64xf32, #tpu.memory_space<vmem_shared>>
        %dma_start3A_98 = arith.constant 0 : i32
        %dma_start3A_99 = arith.constant 0 : i32
        %dma_start3A_100 = tpu.memref_slice %arg13[%dma_start3A_98, %dma_start3A_99] : memref<208x64xf32, #tpu.memory_space<vmem>> -> memref<16x64xf32, #tpu.memory_space<vmem>>
        tpu.enqueue_dma source(%dma_start3A_100 : memref<16x64xf32, #tpu.memory_space<vmem>>) target(%dma_start3A_97 : memref<16x64xf32, #tpu.memory_space<vmem_shared>>) target_semaphore(%run_scoped3A : memref<!tpu.dma_semaphore, #tpu.memory_space<semaphore_mem>>)
        %dma_wait3A = arith.constant 0 : i32
        %dma_wait3A_101 = arith.constant 0 : i32
        %dma_wait3A_102 = tpu.memref_slice %arg13[%dma_wait3A, %dma_wait3A_101] : memref<208x64xf32, #tpu.memory_space<vmem>> -> memref<16x64xf32, #tpu.memory_space<vmem>>
        %dma_wait3A_103 = arith.constant 9984 : i32
        %dma_wait3A_104 = arith.constant 0 : i32
        %dma_wait3A_105 = tpu.memref_slice %arg14[%dma_wait3A_103, %dma_wait3A_104] : memref<10000x64xf32, #tpu.memory_space<vmem_shared>> -> memref<16x64xf32, #tpu.memory_space<vmem_shared>>
        %dma_wait3A_106 = arith.constant 9984 : i32
        %dma_wait3A_107 = arith.constant 0 : i32
        %dma_wait3A_108 = tpu.memref_slice %arg14[%dma_wait3A_106, %dma_wait3A_107] : memref<10000x64xf32, #tpu.memory_space<vmem_shared>> -> memref<16x64xf32, #tpu.memory_space<vmem_shared>>
        %dma_wait3A_109 = arith.constant 0 : i32
        %dma_wait3A_110 = arith.constant 0 : i32
        %dma_wait3A_111 = tpu.memref_slice %arg13[%dma_wait3A_109, %dma_wait3A_110] : memref<208x64xf32, #tpu.memory_space<vmem>> -> memref<16x64xf32, #tpu.memory_space<vmem>>
        tpu.wait_dma2 semaphore(%run_scoped3A : memref<!tpu.dma_semaphore, #tpu.memory_space<semaphore_mem>>) src(%dma_wait3A_111 : memref<16x64xf32, #tpu.memory_space<vmem>>) dst(%dma_wait3A_108 : memref<16x64xf32, #tpu.memory_space<vmem_shared>>)
        tpu.yield
      }) : () -> ()
    } else {
    }
    "tpu.region"() ({
      %run_scoped3A = tpu.sem_alloc : memref<!tpu.dma_semaphore, #tpu.memory_space<semaphore_mem>>
      %dma_start3A_89 = arith.constant 0 : i32
      %dma_start3A_90 = arith.constant 0 : i32
      %dma_start3A_91 = tpu.memref_slice %arg3[%arg1, %dma_start3A_89, %dma_start3A_90] : memref<16x250x80xi32, #tpu.memory_space<hbm>> -> memref<1x250x80xi32, #tpu.memory_space<hbm>>
      %dma_start3A_92 = tpu.memref_squeeze %dma_start3A_91 : memref<1x250x80xi32, #tpu.memory_space<hbm>> -> memref<250x80xi32, #tpu.memory_space<hbm>>
      %dma_start3A_93 = arith.constant 0 : i32
      %dma_start3A_94 = arith.constant 0 : i32
      %dma_start3A_95 = tpu.memref_slice %arg3[%arg1, %dma_start3A_93, %dma_start3A_94] : memref<16x250x80xi32, #tpu.memory_space<hbm>> -> memref<1x250x80xi32, #tpu.memory_space<hbm>>
      %dma_start3A_96 = tpu.memref_squeeze %dma_start3A_95 : memref<1x250x80xi32, #tpu.memory_space<hbm>> -> memref<250x80xi32, #tpu.memory_space<hbm>>
      tpu.enqueue_dma source(%dma_start3A_96 : memref<250x80xi32, #tpu.memory_space<hbm>>) target(%arg6 : memref<250x80xi32, #tpu.memory_space<vmem>>) target_semaphore(%run_scoped3A : memref<!tpu.dma_semaphore, #tpu.memory_space<semaphore_mem>>)
      %dma_wait3A = arith.constant 0 : i32
      %dma_wait3A_97 = arith.constant 0 : i32
      %dma_wait3A_98 = tpu.memref_slice %arg3[%arg1, %dma_wait3A, %dma_wait3A_97] : memref<16x250x80xi32, #tpu.memory_space<hbm>> -> memref<1x250x80xi32, #tpu.memory_space<hbm>>
      %dma_wait3A_99 = tpu.memref_squeeze %dma_wait3A_98 : memref<1x250x80xi32, #tpu.memory_space<hbm>> -> memref<250x80xi32, #tpu.memory_space<hbm>>
      %dma_wait3A_100 = arith.constant 0 : i32
      %dma_wait3A_101 = arith.constant 0 : i32
      %dma_wait3A_102 = tpu.memref_slice %arg3[%arg1, %dma_wait3A_100, %dma_wait3A_101] : memref<16x250x80xi32, #tpu.memory_space<hbm>> -> memref<1x250x80xi32, #tpu.memory_space<hbm>>
      %dma_wait3A_103 = tpu.memref_squeeze %dma_wait3A_102 : memref<1x250x80xi32, #tpu.memory_space<hbm>> -> memref<250x80xi32, #tpu.memory_space<hbm>>
      tpu.wait_dma2 semaphore(%run_scoped3A : memref<!tpu.dma_semaphore, #tpu.memory_space<semaphore_mem>>) src(%dma_wait3A_103 : memref<250x80xi32, #tpu.memory_space<hbm>>) dst(%arg6 : memref<250x80xi32, #tpu.memory_space<vmem>>)
      tpu.yield
    }) : () -> ()
    "tpu.region"() ({
      %run_scoped3A = tpu.sem_alloc : memref<!tpu.dma_semaphore, #tpu.memory_space<semaphore_mem>>
      %dma_start3A_89 = arith.constant 0 : i32
      %dma_start3A_90 = arith.constant 0 : i32
      %dma_start3A_91 = tpu.memref_slice %arg4[%arg1, %dma_start3A_89, %dma_start3A_90] : memref<16x250x80xi32, #tpu.memory_space<hbm>> -> memref<1x250x80xi32, #tpu.memory_space<hbm>>
      %dma_start3A_92 = tpu.memref_squeeze %dma_start3A_91 : memref<1x250x80xi32, #tpu.memory_space<hbm>> -> memref<250x80xi32, #tpu.memory_space<hbm>>
      %dma_start3A_93 = arith.constant 0 : i32
      %dma_start3A_94 = arith.constant 0 : i32
      %dma_start3A_95 = tpu.memref_slice %arg4[%arg1, %dma_start3A_93, %dma_start3A_94] : memref<16x250x80xi32, #tpu.memory_space<hbm>> -> memref<1x250x80xi32, #tpu.memory_space<hbm>>
      %dma_start3A_96 = tpu.memref_squeeze %dma_start3A_95 : memref<1x250x80xi32, #tpu.memory_space<hbm>> -> memref<250x80xi32, #tpu.memory_space<hbm>>
      tpu.enqueue_dma source(%dma_start3A_96 : memref<250x80xi32, #tpu.memory_space<hbm>>) target(%arg7 : memref<250x80xi32, #tpu.memory_space<vmem>>) target_semaphore(%run_scoped3A : memref<!tpu.dma_semaphore, #tpu.memory_space<semaphore_mem>>)
      %dma_wait3A = arith.constant 0 : i32
      %dma_wait3A_97 = arith.constant 0 : i32
      %dma_wait3A_98 = tpu.memref_slice %arg4[%arg1, %dma_wait3A, %dma_wait3A_97] : memref<16x250x80xi32, #tpu.memory_space<hbm>> -> memref<1x250x80xi32, #tpu.memory_space<hbm>>
      %dma_wait3A_99 = tpu.memref_squeeze %dma_wait3A_98 : memref<1x250x80xi32, #tpu.memory_space<hbm>> -> memref<250x80xi32, #tpu.memory_space<hbm>>
      %dma_wait3A_100 = arith.constant 0 : i32
      %dma_wait3A_101 = arith.constant 0 : i32
      %dma_wait3A_102 = tpu.memref_slice %arg4[%arg1, %dma_wait3A_100, %dma_wait3A_101] : memref<16x250x80xi32, #tpu.memory_space<hbm>> -> memref<1x250x80xi32, #tpu.memory_space<hbm>>
      %dma_wait3A_103 = tpu.memref_squeeze %dma_wait3A_102 : memref<1x250x80xi32, #tpu.memory_space<hbm>> -> memref<250x80xi32, #tpu.memory_space<hbm>>
      tpu.wait_dma2 semaphore(%run_scoped3A : memref<!tpu.dma_semaphore, #tpu.memory_space<semaphore_mem>>) src(%dma_wait3A_103 : memref<250x80xi32, #tpu.memory_space<hbm>>) dst(%arg7 : memref<250x80xi32, #tpu.memory_space<vmem>>)
      tpu.yield
    }) : () -> ()
    %barrier3A = arith.constant 0 : index
    tpu.barrier barrier_id(%barrier3A)
    %dma_start3A = arith.constant 0 : i32
    %dma_start3A_18 = arith.constant 0 : i32
    %dma_start3A_19 = tpu.memref_slice %arg6[%dma_start3A, %dma_start3A_18] : memref<250x80xi32, #tpu.memory_space<vmem>> -> memref<1x80xi32, #tpu.memory_space<vmem>>
    %dma_start3A_20 = tpu.memref_squeeze %dma_start3A_19 : memref<1x80xi32, #tpu.memory_space<vmem>> -> memref<80xi32, #tpu.memory_space<vmem>>
    %dma_start3A_21 = arith.constant 0 : i32
    %dma_start3A_22 = arith.constant 0 : i32
    %dma_start3A_23 = tpu.memref_slice %arg2[%arg0, %dma_start3A_21, %dma_start3A_22] : memref<2x10000x64xf32, #tpu.memory_space<hbm>> -> memref<1x10000x64xf32, #tpu.memory_space<hbm>>
    %dma_start3A_24 = tpu.memref_squeeze %dma_start3A_23 : memref<1x10000x64xf32, #tpu.memory_space<hbm>> -> memref<10000x64xf32, #tpu.memory_space<hbm>>
    %dma_start3A_25 = arith.constant 0 : i32
    %dma_start3A_26 = arith.constant 0 : i32
    %dma_start3A_27 = tpu.memref_slice %dma_start3A_24[%dma_start3A_25, %dma_start3A_26] : memref<10000x64xf32, #tpu.memory_space<hbm>> -> memref<10000x64xf32, #tpu.memory_space<hbm>>
    tpu.enqueue_indirect_dma source(%dma_start3A_27 : memref<10000x64xf32, #tpu.memory_space<hbm>>) target(%arg8 : memref<80x64xf32, #tpu.memory_space<vmem>>) offsets(%dma_start3A_20 : memref<80xi32, #tpu.memory_space<vmem>>) semaphore(%arg15 : memref<!tpu.dma_semaphore, #tpu.memory_space<semaphore_mem>>)
    %dma_start3A_28 = arith.constant 1 : i32
    %dma_start3A_29 = arith.constant 0 : i32
    %dma_start3A_30 = tpu.memref_slice %arg6[%dma_start3A_28, %dma_start3A_29] : memref<250x80xi32, #tpu.memory_space<vmem>> -> memref<1x80xi32, #tpu.memory_space<vmem>>
    %dma_start3A_31 = tpu.memref_squeeze %dma_start3A_30 : memref<1x80xi32, #tpu.memory_space<vmem>> -> memref<80xi32, #tpu.memory_space<vmem>>
    %dma_start3A_32 = arith.constant 0 : i32
    %dma_start3A_33 = arith.constant 0 : i32
    %dma_start3A_34 = tpu.memref_slice %arg2[%arg0, %dma_start3A_32, %dma_start3A_33] : memref<2x10000x64xf32, #tpu.memory_space<hbm>> -> memref<1x10000x64xf32, #tpu.memory_space<hbm>>
    %dma_start3A_35 = tpu.memref_squeeze %dma_start3A_34 : memref<1x10000x64xf32, #tpu.memory_space<hbm>> -> memref<10000x64xf32, #tpu.memory_space<hbm>>
    %dma_start3A_36 = arith.constant 0 : i32
    %dma_start3A_37 = arith.constant 0 : i32
    %dma_start3A_38 = tpu.memref_slice %dma_start3A_35[%dma_start3A_36, %dma_start3A_37] : memref<10000x64xf32, #tpu.memory_space<hbm>> -> memref<10000x64xf32, #tpu.memory_space<hbm>>
    tpu.enqueue_indirect_dma source(%dma_start3A_38 : memref<10000x64xf32, #tpu.memory_space<hbm>>) target(%arg9 : memref<80x64xf32, #tpu.memory_space<vmem>>) offsets(%dma_start3A_31 : memref<80xi32, #tpu.memory_space<vmem>>) semaphore(%arg16 : memref<!tpu.dma_semaphore, #tpu.memory_space<semaphore_mem>>)
    %dma_start3A_39 = arith.constant 2 : i32
    %dma_start3A_40 = arith.constant 0 : i32
    %dma_start3A_41 = tpu.memref_slice %arg6[%dma_start3A_39, %dma_start3A_40] : memref<250x80xi32, #tpu.memory_space<vmem>> -> memref<1x80xi32, #tpu.memory_space<vmem>>
    %dma_start3A_42 = tpu.memref_squeeze %dma_start3A_41 : memref<1x80xi32, #tpu.memory_space<vmem>> -> memref<80xi32, #tpu.memory_space<vmem>>
    %dma_start3A_43 = arith.constant 0 : i32
    %dma_start3A_44 = arith.constant 0 : i32
    %dma_start3A_45 = tpu.memref_slice %arg2[%arg0, %dma_start3A_43, %dma_start3A_44] : memref<2x10000x64xf32, #tpu.memory_space<hbm>> -> memref<1x10000x64xf32, #tpu.memory_space<hbm>>
    %dma_start3A_46 = tpu.memref_squeeze %dma_start3A_45 : memref<1x10000x64xf32, #tpu.memory_space<hbm>> -> memref<10000x64xf32, #tpu.memory_space<hbm>>
    %dma_start3A_47 = arith.constant 0 : i32
    %dma_start3A_48 = arith.constant 0 : i32
    %dma_start3A_49 = tpu.memref_slice %dma_start3A_46[%dma_start3A_47, %dma_start3A_48] : memref<10000x64xf32, #tpu.memory_space<hbm>> -> memref<10000x64xf32, #tpu.memory_space<hbm>>
    tpu.enqueue_indirect_dma source(%dma_start3A_49 : memref<10000x64xf32, #tpu.memory_space<hbm>>) target(%arg10 : memref<80x64xf32, #tpu.memory_space<vmem>>) offsets(%dma_start3A_42 : memref<80xi32, #tpu.memory_space<vmem>>) semaphore(%arg17 : memref<!tpu.dma_semaphore, #tpu.memory_space<semaphore_mem>>)
    %dma_start3A_50 = arith.constant 3 : i32
    %dma_start3A_51 = arith.constant 0 : i32
    %dma_start3A_52 = tpu.memref_slice %arg6[%dma_start3A_50, %dma_start3A_51] : memref<250x80xi32, #tpu.memory_space<vmem>> -> memref<1x80xi32, #tpu.memory_space<vmem>>
    %dma_start3A_53 = tpu.memref_squeeze %dma_start3A_52 : memref<1x80xi32, #tpu.memory_space<vmem>> -> memref<80xi32, #tpu.memory_space<vmem>>
    %dma_start3A_54 = arith.constant 0 : i32
    %dma_start3A_55 = arith.constant 0 : i32
    %dma_start3A_56 = tpu.memref_slice %arg2[%arg0, %dma_start3A_54, %dma_start3A_55] : memref<2x10000x64xf32, #tpu.memory_space<hbm>> -> memref<1x10000x64xf32, #tpu.memory_space<hbm>>
    %dma_start3A_57 = tpu.memref_squeeze %dma_start3A_56 : memref<1x10000x64xf32, #tpu.memory_space<hbm>> -> memref<10000x64xf32, #tpu.memory_space<hbm>>
    %dma_start3A_58 = arith.constant 0 : i32
    %dma_start3A_59 = arith.constant 0 : i32
    %dma_start3A_60 = tpu.memref_slice %dma_start3A_57[%dma_start3A_58, %dma_start3A_59] : memref<10000x64xf32, #tpu.memory_space<hbm>> -> memref<10000x64xf32, #tpu.memory_space<hbm>>
    tpu.enqueue_indirect_dma source(%dma_start3A_60 : memref<10000x64xf32, #tpu.memory_space<hbm>>) target(%arg11 : memref<80x64xf32, #tpu.memory_space<vmem>>) offsets(%dma_start3A_53 : memref<80xi32, #tpu.memory_space<vmem>>) semaphore(%arg18 : memref<!tpu.dma_semaphore, #tpu.memory_space<semaphore_mem>>)
    %dma_start3A_61 = arith.constant 4 : i32
    %dma_start3A_62 = arith.constant 0 : i32
    %dma_start3A_63 = tpu.memref_slice %arg6[%dma_start3A_61, %dma_start3A_62] : memref<250x80xi32, #tpu.memory_space<vmem>> -> memref<1x80xi32, #tpu.memory_space<vmem>>
    %dma_start3A_64 = tpu.memref_squeeze %dma_start3A_63 : memref<1x80xi32, #tpu.memory_space<vmem>> -> memref<80xi32, #tpu.memory_space<vmem>>
    %dma_start3A_65 = arith.constant 0 : i32
    %dma_start3A_66 = arith.constant 0 : i32
    %dma_start3A_67 = tpu.memref_slice %arg2[%arg0, %dma_start3A_65, %dma_start3A_66] : memref<2x10000x64xf32, #tpu.memory_space<hbm>> -> memref<1x10000x64xf32, #tpu.memory_space<hbm>>
    %dma_start3A_68 = tpu.memref_squeeze %dma_start3A_67 : memref<1x10000x64xf32, #tpu.memory_space<hbm>> -> memref<10000x64xf32, #tpu.memory_space<hbm>>
    %dma_start3A_69 = arith.constant 0 : i32
    %dma_start3A_70 = arith.constant 0 : i32
    %dma_start3A_71 = tpu.memref_slice %dma_start3A_68[%dma_start3A_69, %dma_start3A_70] : memref<10000x64xf32, #tpu.memory_space<hbm>> -> memref<10000x64xf32, #tpu.memory_space<hbm>>
    tpu.enqueue_indirect_dma source(%dma_start3A_71 : memref<10000x64xf32, #tpu.memory_space<hbm>>) target(%arg12 : memref<80x64xf32, #tpu.memory_space<vmem>>) offsets(%dma_start3A_64 : memref<80xi32, #tpu.memory_space<vmem>>) semaphore(%arg19 : memref<!tpu.dma_semaphore, #tpu.memory_space<semaphore_mem>>)
    %scan3A_72 = arith.constant 0 : i32
    %scan3A_73 = arith.constant 0 : i32
    %scan3A_74 = arith.constant 50 : i32
    %scan3A_75 = arith.addi %scan3A_73, %scan3A_74 : i32
    %scan3A_76 = arith.constant 1 : i32
    %scan3A_77 = scf.for %scan3A_89 = %scan3A_73 to %scan3A_75 step %scan3A_76 iter_args(%scan3A_90 = %scan3A_72) -> (i32)  : i32 {
      %mul3A_91 = arith.constant 5 : i32
      %mul3A_92 = arith.muli %mul3A_91, %scan3A_89 : i32
      %add3A_93 = arith.constant 0 : i32
      %add3A_94 = arith.addi %mul3A_92, %add3A_93 : i32
      %dma_wait3A = arith.constant 0 : i32
      %dma_wait3A_95 = tpu.memref_slice %arg6[%add3A_94, %dma_wait3A] : memref<250x80xi32, #tpu.memory_space<vmem>> -> memref<1x80xi32, #tpu.memory_space<vmem>>
      %dma_wait3A_96 = tpu.memref_squeeze %dma_wait3A_95 : memref<1x80xi32, #tpu.memory_space<vmem>> -> memref<80xi32, #tpu.memory_space<vmem>>
      %dma_wait3A_97 = arith.constant 0 : i32
      %dma_wait3A_98 = arith.constant 0 : i32
      %dma_wait3A_99 = tpu.memref_slice %arg2[%arg0, %dma_wait3A_97, %dma_wait3A_98] : memref<2x10000x64xf32, #tpu.memory_space<hbm>> -> memref<1x10000x64xf32, #tpu.memory_space<hbm>>
      %dma_wait3A_100 = tpu.memref_squeeze %dma_wait3A_99 : memref<1x10000x64xf32, #tpu.memory_space<hbm>> -> memref<10000x64xf32, #tpu.memory_space<hbm>>
      %dma_wait3A_101 = arith.constant 0 : i32
      %dma_wait3A_102 = arith.constant 0 : i32
      %dma_wait3A_103 = tpu.memref_slice %dma_wait3A_100[%dma_wait3A_101, %dma_wait3A_102] : memref<10000x64xf32, #tpu.memory_space<hbm>> -> memref<10000x64xf32, #tpu.memory_space<hbm>>
      tpu.wait_indirect_dma semaphore(%arg15 : memref<!tpu.dma_semaphore, #tpu.memory_space<semaphore_mem>>) src(%dma_wait3A_103 : memref<10000x64xf32, #tpu.memory_space<hbm>>) dst(%arg8 : memref<80x64xf32, #tpu.memory_space<vmem>>)
      "tpu.region"() ({
        %run_scoped3A = tpu.sem_alloc : memref<!tpu.dma_semaphore, #tpu.memory_space<semaphore_mem>>
        %dma_start3A_195 = arith.constant 0 : i32
        %dma_start3A_196 = tpu.memref_slice %arg7[%add3A_94, %dma_start3A_195] : memref<250x80xi32, #tpu.memory_space<vmem>> -> memref<1x80xi32, #tpu.memory_space<vmem>>
        %dma_start3A_197 = tpu.memref_squeeze %dma_start3A_196 : memref<1x80xi32, #tpu.memory_space<vmem>> -> memref<80xi32, #tpu.memory_space<vmem>>
        %dma_start3A_198 = arith.constant 0 : i32
        %dma_start3A_199 = arith.constant 0 : i32
        %dma_start3A_200 = tpu.memref_slice %arg14[%dma_start3A_198, %dma_start3A_199] : memref<10000x64xf32, #tpu.memory_space<vmem_shared>> -> memref<10000x64xf32, #tpu.memory_space<vmem_shared>>
        tpu.enqueue_indirect_dma source(%arg8 : memref<80x64xf32, #tpu.memory_space<vmem>>) target(%dma_start3A_200 : memref<10000x64xf32, #tpu.memory_space<vmem_shared>>) offsets(%dma_start3A_197 : memref<80xi32, #tpu.memory_space<vmem>>) semaphore(%run_scoped3A : memref<!tpu.dma_semaphore, #tpu.memory_space<semaphore_mem>>) {add = true}
        %dma_wait3A_201 = arith.constant 0 : i32
        %dma_wait3A_202 = tpu.memref_slice %arg7[%add3A_94, %dma_wait3A_201] : memref<250x80xi32, #tpu.memory_space<vmem>> -> memref<1x80xi32, #tpu.memory_space<vmem>>
        %dma_wait3A_203 = tpu.memref_squeeze %dma_wait3A_202 : memref<1x80xi32, #tpu.memory_space<vmem>> -> memref<80xi32, #tpu.memory_space<vmem>>
        %dma_wait3A_204 = arith.constant 0 : i32
        %dma_wait3A_205 = arith.constant 0 : i32
        %dma_wait3A_206 = tpu.memref_slice %arg14[%dma_wait3A_204, %dma_wait3A_205] : memref<10000x64xf32, #tpu.memory_space<vmem_shared>> -> memref<10000x64xf32, #tpu.memory_space<vmem_shared>>
        tpu.wait_indirect_dma semaphore(%run_scoped3A : memref<!tpu.dma_semaphore, #tpu.memory_space<semaphore_mem>>) src(%arg8 : memref<80x64xf32, #tpu.memory_space<vmem>>) dst(%dma_wait3A_206 : memref<10000x64xf32, #tpu.memory_space<vmem_shared>>)
        tpu.yield
      }) : () -> ()
      %add3A_104 = arith.constant 5 : i32
      %add3A_105 = arith.addi %add3A_94, %add3A_104 : i32
      %lt3A = arith.constant 250 : i32
      %lt3A_106 = arith.cmpi slt, %add3A_105, %lt3A : i32
      %convert_element_type3A_107 = arith.extui %lt3A_106 : i1 to i32
      %cond3A_108 = arith.constant 0 : i32
      %cond3A_109 = arith.cmpi ne, %convert_element_type3A_107, %cond3A_108 : i32
      scf.if %cond3A_109 {
        %add3A_195 = arith.constant 5 : i32
        %add3A_196 = arith.addi %add3A_94, %add3A_195 : i32
        %dma_start3A_197 = arith.constant 0 : i32
        %dma_start3A_198 = tpu.memref_slice %arg6[%add3A_196, %dma_start3A_197] : memref<250x80xi32, #tpu.memory_space<vmem>> -> memref<1x80xi32, #tpu.memory_space<vmem>>
        %dma_start3A_199 = tpu.memref_squeeze %dma_start3A_198 : memref<1x80xi32, #tpu.memory_space<vmem>> -> memref<80xi32, #tpu.memory_space<vmem>>
        %dma_start3A_200 = arith.constant 0 : i32
        %dma_start3A_201 = arith.constant 0 : i32
        %dma_start3A_202 = tpu.memref_slice %arg2[%arg0, %dma_start3A_200, %dma_start3A_201] : memref<2x10000x64xf32, #tpu.memory_space<hbm>> -> memref<1x10000x64xf32, #tpu.memory_space<hbm>>
        %dma_start3A_203 = tpu.memref_squeeze %dma_start3A_202 : memref<1x10000x64xf32, #tpu.memory_space<hbm>> -> memref<10000x64xf32, #tpu.memory_space<hbm>>
        %dma_start3A_204 = arith.constant 0 : i32
        %dma_start3A_205 = arith.constant 0 : i32
        %dma_start3A_206 = tpu.memref_slice %dma_start3A_203[%dma_start3A_204, %dma_start3A_205] : memref<10000x64xf32, #tpu.memory_space<hbm>> -> memref<10000x64xf32, #tpu.memory_space<hbm>>
        tpu.enqueue_indirect_dma source(%dma_start3A_206 : memref<10000x64xf32, #tpu.memory_space<hbm>>) target(%arg8 : memref<80x64xf32, #tpu.memory_space<vmem>>) offsets(%dma_start3A_199 : memref<80xi32, #tpu.memory_space<vmem>>) semaphore(%arg15 : memref<!tpu.dma_semaphore, #tpu.memory_space<semaphore_mem>>)
      } else {
      }
      %mul3A_110 = arith.constant 5 : i32
      %mul3A_111 = arith.muli %mul3A_110, %scan3A_89 : i32
      %add3A_112 = arith.constant 1 : i32
      %add3A_113 = arith.addi %mul3A_111, %add3A_112 : i32
      %dma_wait3A_114 = arith.constant 0 : i32
      %dma_wait3A_115 = tpu.memref_slice %arg6[%add3A_113, %dma_wait3A_114] : memref<250x80xi32, #tpu.memory_space<vmem>> -> memref<1x80xi32, #tpu.memory_space<vmem>>
      %dma_wait3A_116 = tpu.memref_squeeze %dma_wait3A_115 : memref<1x80xi32, #tpu.memory_space<vmem>> -> memref<80xi32, #tpu.memory_space<vmem>>
      %dma_wait3A_117 = arith.constant 0 : i32
      %dma_wait3A_118 = arith.constant 0 : i32
      %dma_wait3A_119 = tpu.memref_slice %arg2[%arg0, %dma_wait3A_117, %dma_wait3A_118] : memref<2x10000x64xf32, #tpu.memory_space<hbm>> -> memref<1x10000x64xf32, #tpu.memory_space<hbm>>
      %dma_wait3A_120 = tpu.memref_squeeze %dma_wait3A_119 : memref<1x10000x64xf32, #tpu.memory_space<hbm>> -> memref<10000x64xf32, #tpu.memory_space<hbm>>
      %dma_wait3A_121 = arith.constant 0 : i32
      %dma_wait3A_122 = arith.constant 0 : i32
      %dma_wait3A_123 = tpu.memref_slice %dma_wait3A_120[%dma_wait3A_121, %dma_wait3A_122] : memref<10000x64xf32, #tpu.memory_space<hbm>> -> memref<10000x64xf32, #tpu.memory_space<hbm>>
      tpu.wait_indirect_dma semaphore(%arg16 : memref<!tpu.dma_semaphore, #tpu.memory_space<semaphore_mem>>) src(%dma_wait3A_123 : memref<10000x64xf32, #tpu.memory_space<hbm>>) dst(%arg9 : memref<80x64xf32, #tpu.memory_space<vmem>>)
      "tpu.region"() ({
        %run_scoped3A = tpu.sem_alloc : memref<!tpu.dma_semaphore, #tpu.memory_space<semaphore_mem>>
        %dma_start3A_195 = arith.constant 0 : i32
        %dma_start3A_196 = tpu.memref_slice %arg7[%add3A_113, %dma_start3A_195] : memref<250x80xi32, #tpu.memory_space<vmem>> -> memref<1x80xi32, #tpu.memory_space<vmem>>
        %dma_start3A_197 = tpu.memref_squeeze %dma_start3A_196 : memref<1x80xi32, #tpu.memory_space<vmem>> -> memref<80xi32, #tpu.memory_space<vmem>>
        %dma_start3A_198 = arith.constant 0 : i32
        %dma_start3A_199 = arith.constant 0 : i32
        %dma_start3A_200 = tpu.memref_slice %arg14[%dma_start3A_198, %dma_start3A_199] : memref<10000x64xf32, #tpu.memory_space<vmem_shared>> -> memref<10000x64xf32, #tpu.memory_space<vmem_shared>>
        tpu.enqueue_indirect_dma source(%arg9 : memref<80x64xf32, #tpu.memory_space<vmem>>) target(%dma_start3A_200 : memref<10000x64xf32, #tpu.memory_space<vmem_shared>>) offsets(%dma_start3A_197 : memref<80xi32, #tpu.memory_space<vmem>>) semaphore(%run_scoped3A : memref<!tpu.dma_semaphore, #tpu.memory_space<semaphore_mem>>) {add = true}
        %dma_wait3A_201 = arith.constant 0 : i32
        %dma_wait3A_202 = tpu.memref_slice %arg7[%add3A_113, %dma_wait3A_201] : memref<250x80xi32, #tpu.memory_space<vmem>> -> memref<1x80xi32, #tpu.memory_space<vmem>>
        %dma_wait3A_203 = tpu.memref_squeeze %dma_wait3A_202 : memref<1x80xi32, #tpu.memory_space<vmem>> -> memref<80xi32, #tpu.memory_space<vmem>>
        %dma_wait3A_204 = arith.constant 0 : i32
        %dma_wait3A_205 = arith.constant 0 : i32
        %dma_wait3A_206 = tpu.memref_slice %arg14[%dma_wait3A_204, %dma_wait3A_205] : memref<10000x64xf32, #tpu.memory_space<vmem_shared>> -> memref<10000x64xf32, #tpu.memory_space<vmem_shared>>
        tpu.wait_indirect_dma semaphore(%run_scoped3A : memref<!tpu.dma_semaphore, #tpu.memory_space<semaphore_mem>>) src(%arg9 : memref<80x64xf32, #tpu.memory_space<vmem>>) dst(%dma_wait3A_206 : memref<10000x64xf32, #tpu.memory_space<vmem_shared>>)
        tpu.yield
      }) : () -> ()
      %add3A_124 = arith.constant 5 : i32
      %add3A_125 = arith.addi %add3A_113, %add3A_124 : i32
      %lt3A_126 = arith.constant 250 : i32
      %lt3A_127 = arith.cmpi slt, %add3A_125, %lt3A_126 : i32
      %convert_element_type3A_128 = arith.extui %lt3A_127 : i1 to i32
      %cond3A_129 = arith.constant 0 : i32
      %cond3A_130 = arith.cmpi ne, %convert_element_type3A_128, %cond3A_129 : i32
      scf.if %cond3A_130 {
        %add3A_195 = arith.constant 5 : i32
        %add3A_196 = arith.addi %add3A_113, %add3A_195 : i32
        %dma_start3A_197 = arith.constant 0 : i32
        %dma_start3A_198 = tpu.memref_slice %arg6[%add3A_196, %dma_start3A_197] : memref<250x80xi32, #tpu.memory_space<vmem>> -> memref<1x80xi32, #tpu.memory_space<vmem>>
        %dma_start3A_199 = tpu.memref_squeeze %dma_start3A_198 : memref<1x80xi32, #tpu.memory_space<vmem>> -> memref<80xi32, #tpu.memory_space<vmem>>
        %dma_start3A_200 = arith.constant 0 : i32
        %dma_start3A_201 = arith.constant 0 : i32
        %dma_start3A_202 = tpu.memref_slice %arg2[%arg0, %dma_start3A_200, %dma_start3A_201] : memref<2x10000x64xf32, #tpu.memory_space<hbm>> -> memref<1x10000x64xf32, #tpu.memory_space<hbm>>
        %dma_start3A_203 = tpu.memref_squeeze %dma_start3A_202 : memref<1x10000x64xf32, #tpu.memory_space<hbm>> -> memref<10000x64xf32, #tpu.memory_space<hbm>>
        %dma_start3A_204 = arith.constant 0 : i32
        %dma_start3A_205 = arith.constant 0 : i32
        %dma_start3A_206 = tpu.memref_slice %dma_start3A_203[%dma_start3A_204, %dma_start3A_205] : memref<10000x64xf32, #tpu.memory_space<hbm>> -> memref<10000x64xf32, #tpu.memory_space<hbm>>
        tpu.enqueue_indirect_dma source(%dma_start3A_206 : memref<10000x64xf32, #tpu.memory_space<hbm>>) target(%arg9 : memref<80x64xf32, #tpu.memory_space<vmem>>) offsets(%dma_start3A_199 : memref<80xi32, #tpu.memory_space<vmem>>) semaphore(%arg16 : memref<!tpu.dma_semaphore, #tpu.memory_space<semaphore_mem>>)
      } else {
      }
      %mul3A_131 = arith.constant 5 : i32
      %mul3A_132 = arith.muli %mul3A_131, %scan3A_89 : i32
      %add3A_133 = arith.constant 2 : i32
      %add3A_134 = arith.addi %mul3A_132, %add3A_133 : i32
      %dma_wait3A_135 = arith.constant 0 : i32
      %dma_wait3A_136 = tpu.memref_slice %arg6[%add3A_134, %dma_wait3A_135] : memref<250x80xi32, #tpu.memory_space<vmem>> -> memref<1x80xi32, #tpu.memory_space<vmem>>
      %dma_wait3A_137 = tpu.memref_squeeze %dma_wait3A_136 : memref<1x80xi32, #tpu.memory_space<vmem>> -> memref<80xi32, #tpu.memory_space<vmem>>
      %dma_wait3A_138 = arith.constant 0 : i32
      %dma_wait3A_139 = arith.constant 0 : i32
      %dma_wait3A_140 = tpu.memref_slice %arg2[%arg0, %dma_wait3A_138, %dma_wait3A_139] : memref<2x10000x64xf32, #tpu.memory_space<hbm>> -> memref<1x10000x64xf32, #tpu.memory_space<hbm>>
      %dma_wait3A_141 = tpu.memref_squeeze %dma_wait3A_140 : memref<1x10000x64xf32, #tpu.memory_space<hbm>> -> memref<10000x64xf32, #tpu.memory_space<hbm>>
      %dma_wait3A_142 = arith.constant 0 : i32
      %dma_wait3A_143 = arith.constant 0 : i32
      %dma_wait3A_144 = tpu.memref_slice %dma_wait3A_141[%dma_wait3A_142, %dma_wait3A_143] : memref<10000x64xf32, #tpu.memory_space<hbm>> -> memref<10000x64xf32, #tpu.memory_space<hbm>>
      tpu.wait_indirect_dma semaphore(%arg17 : memref<!tpu.dma_semaphore, #tpu.memory_space<semaphore_mem>>) src(%dma_wait3A_144 : memref<10000x64xf32, #tpu.memory_space<hbm>>) dst(%arg10 : memref<80x64xf32, #tpu.memory_space<vmem>>)
      "tpu.region"() ({
        %run_scoped3A = tpu.sem_alloc : memref<!tpu.dma_semaphore, #tpu.memory_space<semaphore_mem>>
        %dma_start3A_195 = arith.constant 0 : i32
        %dma_start3A_196 = tpu.memref_slice %arg7[%add3A_134, %dma_start3A_195] : memref<250x80xi32, #tpu.memory_space<vmem>> -> memref<1x80xi32, #tpu.memory_space<vmem>>
        %dma_start3A_197 = tpu.memref_squeeze %dma_start3A_196 : memref<1x80xi32, #tpu.memory_space<vmem>> -> memref<80xi32, #tpu.memory_space<vmem>>
        %dma_start3A_198 = arith.constant 0 : i32
        %dma_start3A_199 = arith.constant 0 : i32
        %dma_start3A_200 = tpu.memref_slice %arg14[%dma_start3A_198, %dma_start3A_199] : memref<10000x64xf32, #tpu.memory_space<vmem_shared>> -> memref<10000x64xf32, #tpu.memory_space<vmem_shared>>
        tpu.enqueue_indirect_dma source(%arg10 : memref<80x64xf32, #tpu.memory_space<vmem>>) target(%dma_start3A_200 : memref<10000x64xf32, #tpu.memory_space<vmem_shared>>) offsets(%dma_start3A_197 : memref<80xi32, #tpu.memory_space<vmem>>) semaphore(%run_scoped3A : memref<!tpu.dma_semaphore, #tpu.memory_space<semaphore_mem>>) {add = true}
        %dma_wait3A_201 = arith.constant 0 : i32
        %dma_wait3A_202 = tpu.memref_slice %arg7[%add3A_134, %dma_wait3A_201] : memref<250x80xi32, #tpu.memory_space<vmem>> -> memref<1x80xi32, #tpu.memory_space<vmem>>
        %dma_wait3A_203 = tpu.memref_squeeze %dma_wait3A_202 : memref<1x80xi32, #tpu.memory_space<vmem>> -> memref<80xi32, #tpu.memory_space<vmem>>
        %dma_wait3A_204 = arith.constant 0 : i32
        %dma_wait3A_205 = arith.constant 0 : i32
        %dma_wait3A_206 = tpu.memref_slice %arg14[%dma_wait3A_204, %dma_wait3A_205] : memref<10000x64xf32, #tpu.memory_space<vmem_shared>> -> memref<10000x64xf32, #tpu.memory_space<vmem_shared>>
        tpu.wait_indirect_dma semaphore(%run_scoped3A : memref<!tpu.dma_semaphore, #tpu.memory_space<semaphore_mem>>) src(%arg10 : memref<80x64xf32, #tpu.memory_space<vmem>>) dst(%dma_wait3A_206 : memref<10000x64xf32, #tpu.memory_space<vmem_shared>>)
        tpu.yield
      }) : () -> ()
      %add3A_145 = arith.constant 5 : i32
      %add3A_146 = arith.addi %add3A_134, %add3A_145 : i32
      %lt3A_147 = arith.constant 250 : i32
      %lt3A_148 = arith.cmpi slt, %add3A_146, %lt3A_147 : i32
      %convert_element_type3A_149 = arith.extui %lt3A_148 : i1 to i32
      %cond3A_150 = arith.constant 0 : i32
      %cond3A_151 = arith.cmpi ne, %convert_element_type3A_149, %cond3A_150 : i32
      scf.if %cond3A_151 {
        %add3A_195 = arith.constant 5 : i32
        %add3A_196 = arith.addi %add3A_134, %add3A_195 : i32
        %dma_start3A_197 = arith.constant 0 : i32
        %dma_start3A_198 = tpu.memref_slice %arg6[%add3A_196, %dma_start3A_197] : memref<250x80xi32, #tpu.memory_space<vmem>> -> memref<1x80xi32, #tpu.memory_space<vmem>>
        %dma_start3A_199 = tpu.memref_squeeze %dma_start3A_198 : memref<1x80xi32, #tpu.memory_space<vmem>> -> memref<80xi32, #tpu.memory_space<vmem>>
        %dma_start3A_200 = arith.constant 0 : i32
        %dma_start3A_201 = arith.constant 0 : i32
        %dma_start3A_202 = tpu.memref_slice %arg2[%arg0, %dma_start3A_200, %dma_start3A_201] : memref<2x10000x64xf32, #tpu.memory_space<hbm>> -> memref<1x10000x64xf32, #tpu.memory_space<hbm>>
        %dma_start3A_203 = tpu.memref_squeeze %dma_start3A_202 : memref<1x10000x64xf32, #tpu.memory_space<hbm>> -> memref<10000x64xf32, #tpu.memory_space<hbm>>
        %dma_start3A_204 = arith.constant 0 : i32
        %dma_start3A_205 = arith.constant 0 : i32
        %dma_start3A_206 = tpu.memref_slice %dma_start3A_203[%dma_start3A_204, %dma_start3A_205] : memref<10000x64xf32, #tpu.memory_space<hbm>> -> memref<10000x64xf32, #tpu.memory_space<hbm>>
        tpu.enqueue_indirect_dma source(%dma_start3A_206 : memref<10000x64xf32, #tpu.memory_space<hbm>>) target(%arg10 : memref<80x64xf32, #tpu.memory_space<vmem>>) offsets(%dma_start3A_199 : memref<80xi32, #tpu.memory_space<vmem>>) semaphore(%arg17 : memref<!tpu.dma_semaphore, #tpu.memory_space<semaphore_mem>>)
      } else {
      }
      %mul3A_152 = arith.constant 5 : i32
      %mul3A_153 = arith.muli %mul3A_152, %scan3A_89 : i32
      %add3A_154 = arith.constant 3 : i32
      %add3A_155 = arith.addi %mul3A_153, %add3A_154 : i32
      %dma_wait3A_156 = arith.constant 0 : i32
      %dma_wait3A_157 = tpu.memref_slice %arg6[%add3A_155, %dma_wait3A_156] : memref<250x80xi32, #tpu.memory_space<vmem>> -> memref<1x80xi32, #tpu.memory_space<vmem>>
      %dma_wait3A_158 = tpu.memref_squeeze %dma_wait3A_157 : memref<1x80xi32, #tpu.memory_space<vmem>> -> memref<80xi32, #tpu.memory_space<vmem>>
      %dma_wait3A_159 = arith.constant 0 : i32
      %dma_wait3A_160 = arith.constant 0 : i32
      %dma_wait3A_161 = tpu.memref_slice %arg2[%arg0, %dma_wait3A_159, %dma_wait3A_160] : memref<2x10000x64xf32, #tpu.memory_space<hbm>> -> memref<1x10000x64xf32, #tpu.memory_space<hbm>>
      %dma_wait3A_162 = tpu.memref_squeeze %dma_wait3A_161 : memref<1x10000x64xf32, #tpu.memory_space<hbm>> -> memref<10000x64xf32, #tpu.memory_space<hbm>>
      %dma_wait3A_163 = arith.constant 0 : i32
      %dma_wait3A_164 = arith.constant 0 : i32
      %dma_wait3A_165 = tpu.memref_slice %dma_wait3A_162[%dma_wait3A_163, %dma_wait3A_164] : memref<10000x64xf32, #tpu.memory_space<hbm>> -> memref<10000x64xf32, #tpu.memory_space<hbm>>
      tpu.wait_indirect_dma semaphore(%arg18 : memref<!tpu.dma_semaphore, #tpu.memory_space<semaphore_mem>>) src(%dma_wait3A_165 : memref<10000x64xf32, #tpu.memory_space<hbm>>) dst(%arg11 : memref<80x64xf32, #tpu.memory_space<vmem>>)
      "tpu.region"() ({
        %run_scoped3A = tpu.sem_alloc : memref<!tpu.dma_semaphore, #tpu.memory_space<semaphore_mem>>
        %dma_start3A_195 = arith.constant 0 : i32
        %dma_start3A_196 = tpu.memref_slice %arg7[%add3A_155, %dma_start3A_195] : memref<250x80xi32, #tpu.memory_space<vmem>> -> memref<1x80xi32, #tpu.memory_space<vmem>>
        %dma_start3A_197 = tpu.memref_squeeze %dma_start3A_196 : memref<1x80xi32, #tpu.memory_space<vmem>> -> memref<80xi32, #tpu.memory_space<vmem>>
        %dma_start3A_198 = arith.constant 0 : i32
        %dma_start3A_199 = arith.constant 0 : i32
        %dma_start3A_200 = tpu.memref_slice %arg14[%dma_start3A_198, %dma_start3A_199] : memref<10000x64xf32, #tpu.memory_space<vmem_shared>> -> memref<10000x64xf32, #tpu.memory_space<vmem_shared>>
        tpu.enqueue_indirect_dma source(%arg11 : memref<80x64xf32, #tpu.memory_space<vmem>>) target(%dma_start3A_200 : memref<10000x64xf32, #tpu.memory_space<vmem_shared>>) offsets(%dma_start3A_197 : memref<80xi32, #tpu.memory_space<vmem>>) semaphore(%run_scoped3A : memref<!tpu.dma_semaphore, #tpu.memory_space<semaphore_mem>>) {add = true}
        %dma_wait3A_201 = arith.constant 0 : i32
        %dma_wait3A_202 = tpu.memref_slice %arg7[%add3A_155, %dma_wait3A_201] : memref<250x80xi32, #tpu.memory_space<vmem>> -> memref<1x80xi32, #tpu.memory_space<vmem>>
        %dma_wait3A_203 = tpu.memref_squeeze %dma_wait3A_202 : memref<1x80xi32, #tpu.memory_space<vmem>> -> memref<80xi32, #tpu.memory_space<vmem>>
        %dma_wait3A_204 = arith.constant 0 : i32
        %dma_wait3A_205 = arith.constant 0 : i32
        %dma_wait3A_206 = tpu.memref_slice %arg14[%dma_wait3A_204, %dma_wait3A_205] : memref<10000x64xf32, #tpu.memory_space<vmem_shared>> -> memref<10000x64xf32, #tpu.memory_space<vmem_shared>>
        tpu.wait_indirect_dma semaphore(%run_scoped3A : memref<!tpu.dma_semaphore, #tpu.memory_space<semaphore_mem>>) src(%arg11 : memref<80x64xf32, #tpu.memory_space<vmem>>) dst(%dma_wait3A_206 : memref<10000x64xf32, #tpu.memory_space<vmem_shared>>)
        tpu.yield
      }) : () -> ()
      %add3A_166 = arith.constant 5 : i32
      %add3A_167 = arith.addi %add3A_155, %add3A_166 : i32
      %lt3A_168 = arith.constant 250 : i32
      %lt3A_169 = arith.cmpi slt, %add3A_167, %lt3A_168 : i32
      %convert_element_type3A_170 = arith.extui %lt3A_169 : i1 to i32
      %cond3A_171 = arith.constant 0 : i32
      %cond3A_172 = arith.cmpi ne, %convert_element_type3A_170, %cond3A_171 : i32
      scf.if %cond3A_172 {
        %add3A_195 = arith.constant 5 : i32
        %add3A_196 = arith.addi %add3A_155, %add3A_195 : i32
        %dma_start3A_197 = arith.constant 0 : i32
        %dma_start3A_198 = tpu.memref_slice %arg6[%add3A_196, %dma_start3A_197] : memref<250x80xi32, #tpu.memory_space<vmem>> -> memref<1x80xi32, #tpu.memory_space<vmem>>
        %dma_start3A_199 = tpu.memref_squeeze %dma_start3A_198 : memref<1x80xi32, #tpu.memory_space<vmem>> -> memref<80xi32, #tpu.memory_space<vmem>>
        %dma_start3A_200 = arith.constant 0 : i32
        %dma_start3A_201 = arith.constant 0 : i32
        %dma_start3A_202 = tpu.memref_slice %arg2[%arg0, %dma_start3A_200, %dma_start3A_201] : memref<2x10000x64xf32, #tpu.memory_space<hbm>> -> memref<1x10000x64xf32, #tpu.memory_space<hbm>>
        %dma_start3A_203 = tpu.memref_squeeze %dma_start3A_202 : memref<1x10000x64xf32, #tpu.memory_space<hbm>> -> memref<10000x64xf32, #tpu.memory_space<hbm>>
        %dma_start3A_204 = arith.constant 0 : i32
        %dma_start3A_205 = arith.constant 0 : i32
        %dma_start3A_206 = tpu.memref_slice %dma_start3A_203[%dma_start3A_204, %dma_start3A_205] : memref<10000x64xf32, #tpu.memory_space<hbm>> -> memref<10000x64xf32, #tpu.memory_space<hbm>>
        tpu.enqueue_indirect_dma source(%dma_start3A_206 : memref<10000x64xf32, #tpu.memory_space<hbm>>) target(%arg11 : memref<80x64xf32, #tpu.memory_space<vmem>>) offsets(%dma_start3A_199 : memref<80xi32, #tpu.memory_space<vmem>>) semaphore(%arg18 : memref<!tpu.dma_semaphore, #tpu.memory_space<semaphore_mem>>)
      } else {
      }
      %mul3A_173 = arith.constant 5 : i32
      %mul3A_174 = arith.muli %mul3A_173, %scan3A_89 : i32
      %add3A_175 = arith.constant 4 : i32
      %add3A_176 = arith.addi %mul3A_174, %add3A_175 : i32
      %dma_wait3A_177 = arith.constant 0 : i32
      %dma_wait3A_178 = tpu.memref_slice %arg6[%add3A_176, %dma_wait3A_177] : memref<250x80xi32, #tpu.memory_space<vmem>> -> memref<1x80xi32, #tpu.memory_space<vmem>>
      %dma_wait3A_179 = tpu.memref_squeeze %dma_wait3A_178 : memref<1x80xi32, #tpu.memory_space<vmem>> -> memref<80xi32, #tpu.memory_space<vmem>>
      %dma_wait3A_180 = arith.constant 0 : i32
      %dma_wait3A_181 = arith.constant 0 : i32
      %dma_wait3A_182 = tpu.memref_slice %arg2[%arg0, %dma_wait3A_180, %dma_wait3A_181] : memref<2x10000x64xf32, #tpu.memory_space<hbm>> -> memref<1x10000x64xf32, #tpu.memory_space<hbm>>
      %dma_wait3A_183 = tpu.memref_squeeze %dma_wait3A_182 : memref<1x10000x64xf32, #tpu.memory_space<hbm>> -> memref<10000x64xf32, #tpu.memory_space<hbm>>
      %dma_wait3A_184 = arith.constant 0 : i32
      %dma_wait3A_185 = arith.constant 0 : i32
      %dma_wait3A_186 = tpu.memref_slice %dma_wait3A_183[%dma_wait3A_184, %dma_wait3A_185] : memref<10000x64xf32, #tpu.memory_space<hbm>> -> memref<10000x64xf32, #tpu.memory_space<hbm>>
      tpu.wait_indirect_dma semaphore(%arg19 : memref<!tpu.dma_semaphore, #tpu.memory_space<semaphore_mem>>) src(%dma_wait3A_186 : memref<10000x64xf32, #tpu.memory_space<hbm>>) dst(%arg12 : memref<80x64xf32, #tpu.memory_space<vmem>>)
      "tpu.region"() ({
        %run_scoped3A = tpu.sem_alloc : memref<!tpu.dma_semaphore, #tpu.memory_space<semaphore_mem>>
        %dma_start3A_195 = arith.constant 0 : i32
        %dma_start3A_196 = tpu.memref_slice %arg7[%add3A_176, %dma_start3A_195] : memref<250x80xi32, #tpu.memory_space<vmem>> -> memref<1x80xi32, #tpu.memory_space<vmem>>
        %dma_start3A_197 = tpu.memref_squeeze %dma_start3A_196 : memref<1x80xi32, #tpu.memory_space<vmem>> -> memref<80xi32, #tpu.memory_space<vmem>>
        %dma_start3A_198 = arith.constant 0 : i32
        %dma_start3A_199 = arith.constant 0 : i32
        %dma_start3A_200 = tpu.memref_slice %arg14[%dma_start3A_198, %dma_start3A_199] : memref<10000x64xf32, #tpu.memory_space<vmem_shared>> -> memref<10000x64xf32, #tpu.memory_space<vmem_shared>>
        tpu.enqueue_indirect_dma source(%arg12 : memref<80x64xf32, #tpu.memory_space<vmem>>) target(%dma_start3A_200 : memref<10000x64xf32, #tpu.memory_space<vmem_shared>>) offsets(%dma_start3A_197 : memref<80xi32, #tpu.memory_space<vmem>>) semaphore(%run_scoped3A : memref<!tpu.dma_semaphore, #tpu.memory_space<semaphore_mem>>) {add = true}
        %dma_wait3A_201 = arith.constant 0 : i32
        %dma_wait3A_202 = tpu.memref_slice %arg7[%add3A_176, %dma_wait3A_201] : memref<250x80xi32, #tpu.memory_space<vmem>> -> memref<1x80xi32, #tpu.memory_space<vmem>>
        %dma_wait3A_203 = tpu.memref_squeeze %dma_wait3A_202 : memref<1x80xi32, #tpu.memory_space<vmem>> -> memref<80xi32, #tpu.memory_space<vmem>>
        %dma_wait3A_204 = arith.constant 0 : i32
        %dma_wait3A_205 = arith.constant 0 : i32
        %dma_wait3A_206 = tpu.memref_slice %arg14[%dma_wait3A_204, %dma_wait3A_205] : memref<10000x64xf32, #tpu.memory_space<vmem_shared>> -> memref<10000x64xf32, #tpu.memory_space<vmem_shared>>
        tpu.wait_indirect_dma semaphore(%run_scoped3A : memref<!tpu.dma_semaphore, #tpu.memory_space<semaphore_mem>>) src(%arg12 : memref<80x64xf32, #tpu.memory_space<vmem>>) dst(%dma_wait3A_206 : memref<10000x64xf32, #tpu.memory_space<vmem_shared>>)
        tpu.yield
      }) : () -> ()
      %add3A_187 = arith.constant 5 : i32
      %add3A_188 = arith.addi %add3A_176, %add3A_187 : i32
      %lt3A_189 = arith.constant 250 : i32
      %lt3A_190 = arith.cmpi slt, %add3A_188, %lt3A_189 : i32
      %convert_element_type3A_191 = arith.extui %lt3A_190 : i1 to i32
      %cond3A_192 = arith.constant 0 : i32
      %cond3A_193 = arith.cmpi ne, %convert_element_type3A_191, %cond3A_192 : i32
      scf.if %cond3A_193 {
        %add3A_195 = arith.constant 5 : i32
        %add3A_196 = arith.addi %add3A_176, %add3A_195 : i32
        %dma_start3A_197 = arith.constant 0 : i32
        %dma_start3A_198 = tpu.memref_slice %arg6[%add3A_196, %dma_start3A_197] : memref<250x80xi32, #tpu.memory_space<vmem>> -> memref<1x80xi32, #tpu.memory_space<vmem>>
        %dma_start3A_199 = tpu.memref_squeeze %dma_start3A_198 : memref<1x80xi32, #tpu.memory_space<vmem>> -> memref<80xi32, #tpu.memory_space<vmem>>
        %dma_start3A_200 = arith.constant 0 : i32
        %dma_start3A_201 = arith.constant 0 : i32
        %dma_start3A_202 = tpu.memref_slice %arg2[%arg0, %dma_start3A_200, %dma_start3A_201] : memref<2x10000x64xf32, #tpu.memory_space<hbm>> -> memref<1x10000x64xf32, #tpu.memory_space<hbm>>
        %dma_start3A_203 = tpu.memref_squeeze %dma_start3A_202 : memref<1x10000x64xf32, #tpu.memory_space<hbm>> -> memref<10000x64xf32, #tpu.memory_space<hbm>>
        %dma_start3A_204 = arith.constant 0 : i32
        %dma_start3A_205 = arith.constant 0 : i32
        %dma_start3A_206 = tpu.memref_slice %dma_start3A_203[%dma_start3A_204, %dma_start3A_205] : memref<10000x64xf32, #tpu.memory_space<hbm>> -> memref<10000x64xf32, #tpu.memory_space<hbm>>
        tpu.enqueue_indirect_dma source(%dma_start3A_206 : memref<10000x64xf32, #tpu.memory_space<hbm>>) target(%arg12 : memref<80x64xf32, #tpu.memory_space<vmem>>) offsets(%dma_start3A_199 : memref<80xi32, #tpu.memory_space<vmem>>) semaphore(%arg19 : memref<!tpu.dma_semaphore, #tpu.memory_space<semaphore_mem>>)
      } else {
      }
      %scan3A_194 = arith.constant 0 : i32
      scf.yield %scan3A_194 : i32
    }
    %scan3A_78 = arith.constant 50 : i32
    %barrier3A_79 = arith.constant 0 : index
    tpu.barrier barrier_id(%barrier3A_79)
    %mul3A_80 = arith.constant 624 : i32
    %mul3A_81 = arith.muli %arg1, %mul3A_80 : i32
    %mul3A_82 = arith.constant 624 : i32
    %mul3A_83 = arith.muli %arg1, %mul3A_82 : i32
    "tpu.region"() ({
      %run_scoped3A = tpu.sem_alloc : memref<!tpu.dma_semaphore, #tpu.memory_space<semaphore_mem>>
      %dma_start3A_89 = arith.constant 0 : i32
      %dma_start3A_90 = tpu.memref_slice %arg5[%arg0, %mul3A_83, %dma_start3A_89] : memref<2x10000x64xf32, #tpu.memory_space<hbm>> -> memref<1x624x64xf32, #tpu.memory_space<hbm>>
      %dma_start3A_91 = tpu.memref_squeeze %dma_start3A_90 : memref<1x624x64xf32, #tpu.memory_space<hbm>> -> memref<624x64xf32, #tpu.memory_space<hbm>>
      %dma_start3A_92 = arith.constant 0 : i32
      %dma_start3A_93 = tpu.memref_slice %arg14[%mul3A_81, %dma_start3A_92] : memref<10000x64xf32, #tpu.memory_space<vmem_shared>> -> memref<624x64xf32, #tpu.memory_space<vmem_shared>>
      tpu.enqueue_dma source(%dma_start3A_93 : memref<624x64xf32, #tpu.memory_space<vmem_shared>>) target(%dma_start3A_91 : memref<624x64xf32, #tpu.memory_space<hbm>>) target_semaphore(%run_scoped3A : memref<!tpu.dma_semaphore, #tpu.memory_space<semaphore_mem>>)
      %dma_wait3A = arith.constant 0 : i32
      %dma_wait3A_94 = tpu.memref_slice %arg5[%arg0, %mul3A_83, %dma_wait3A] : memref<2x10000x64xf32, #tpu.memory_space<hbm>> -> memref<1x624x64xf32, #tpu.memory_space<hbm>>
      %dma_wait3A_95 = tpu.memref_squeeze %dma_wait3A_94 : memref<1x624x64xf32, #tpu.memory_space<hbm>> -> memref<624x64xf32, #tpu.memory_space<hbm>>
      %dma_wait3A_96 = arith.constant 0 : i32
      %dma_wait3A_97 = tpu.memref_slice %arg14[%mul3A_81, %dma_wait3A_96] : memref<10000x64xf32, #tpu.memory_space<vmem_shared>> -> memref<624x64xf32, #tpu.memory_space<vmem_shared>>
      tpu.wait_dma2 semaphore(%run_scoped3A : memref<!tpu.dma_semaphore, #tpu.memory_space<semaphore_mem>>) src(%dma_wait3A_97 : memref<624x64xf32, #tpu.memory_space<vmem_shared>>) dst(%dma_wait3A_95 : memref<624x64xf32, #tpu.memory_space<hbm>>)
      tpu.yield
    }) : () -> ()
    %eq3A_84 = arith.constant 0 : i32
    %eq3A_85 = arith.cmpi eq, %arg1, %eq3A_84 : i32
    %convert_element_type3A_86 = arith.extui %eq3A_85 : i1 to i32
    %cond3A_87 = arith.constant 0 : i32
    %cond3A_88 = arith.cmpi ne, %convert_element_type3A_86, %cond3A_87 : i32
    scf.if %cond3A_88 {
      "tpu.region"() ({
        %run_scoped3A = tpu.sem_alloc : memref<!tpu.dma_semaphore, #tpu.memory_space<semaphore_mem>>
        %dma_start3A_89 = arith.constant 9984 : i32
        %dma_start3A_90 = arith.constant 0 : i32
        %dma_start3A_91 = tpu.memref_slice %arg5[%arg0, %dma_start3A_89, %dma_start3A_90] : memref<2x10000x64xf32, #tpu.memory_space<hbm>> -> memref<1x16x64xf32, #tpu.memory_space<hbm>>
        %dma_start3A_92 = tpu.memref_squeeze %dma_start3A_91 : memref<1x16x64xf32, #tpu.memory_space<hbm>> -> memref<16x64xf32, #tpu.memory_space<hbm>>
        %dma_start3A_93 = arith.constant 9984 : i32
        %dma_start3A_94 = arith.constant 0 : i32
        %dma_start3A_95 = tpu.memref_slice %arg14[%dma_start3A_93, %dma_start3A_94] : memref<10000x64xf32, #tpu.memory_space<vmem_shared>> -> memref<16x64xf32, #tpu.memory_space<vmem_shared>>
        tpu.enqueue_dma source(%dma_start3A_95 : memref<16x64xf32, #tpu.memory_space<vmem_shared>>) target(%dma_start3A_92 : memref<16x64xf32, #tpu.memory_space<hbm>>) target_semaphore(%run_scoped3A : memref<!tpu.dma_semaphore, #tpu.memory_space<semaphore_mem>>)
        %dma_wait3A = arith.constant 9984 : i32
        %dma_wait3A_96 = arith.constant 0 : i32
        %dma_wait3A_97 = tpu.memref_slice %arg5[%arg0, %dma_wait3A, %dma_wait3A_96] : memref<2x10000x64xf32, #tpu.memory_space<hbm>> -> memref<1x16x64xf32, #tpu.memory_space<hbm>>
        %dma_wait3A_98 = tpu.memref_squeeze %dma_wait3A_97 : memref<1x16x64xf32, #tpu.memory_space<hbm>> -> memref<16x64xf32, #tpu.memory_space<hbm>>
        %dma_wait3A_99 = arith.constant 9984 : i32
        %dma_wait3A_100 = arith.constant 0 : i32
        %dma_wait3A_101 = tpu.memref_slice %arg14[%dma_wait3A_99, %dma_wait3A_100] : memref<10000x64xf32, #tpu.memory_space<vmem_shared>> -> memref<16x64xf32, #tpu.memory_space<vmem_shared>>
        tpu.wait_dma2 semaphore(%run_scoped3A : memref<!tpu.dma_semaphore, #tpu.memory_space<semaphore_mem>>) src(%dma_wait3A_101 : memref<16x64xf32, #tpu.memory_space<vmem_shared>>) dst(%dma_wait3A_98 : memref<16x64xf32, #tpu.memory_space<hbm>>)
        tpu.yield
      }) : () -> ()
    } else {
    }
    return
  }
}

module attributes {stable_mosaic.version = 14 : i64} {
  func.func @_tc_first_body(%arg0: i32, %arg1: memref<5000x128xf32, #tpu.memory_space<vmem>>, %arg2: memref<128x128xf32, #tpu.memory_space<vmem>>, %arg3: memref<5000x2xf32, #tpu.memory_space<vmem>>, %arg4: memref<2x5000x64xf32, #tpu.memory_space<vmem>>, %arg5: memref<5000x1xf32, #tpu.memory_space<vmem>>) attributes {dimension_semantics = [#tpu.dimension_semantics<arbitrary>], iteration_bounds = array<i64: 2>, scalar_prefetch = 0 : i64, scratch_operands = 0 : i64, tpu.core_type = #tpu.core_type<tc>, window_params = [{transform_indices = @transform_0, window_bounds = array<i64: 5000, 128>}, {pipeline_mode = #tpu.pipeline_mode<synchronous>, transform_indices = @transform_1, window_bounds = array<i64: 128, 128>}, {transform_indices = @transform_2, window_bounds = array<i64: 5000, 2>}, {transform_indices = @transform_3, window_bounds = array<i64: 2, 5000, 64>}, {transform_indices = @transform_4, window_bounds = array<i64: 5000, 1>}]} {
    %get3A = arith.constant 0 : index
    %get3A_0 = arith.constant 0 : index
    %get3A_1 = vector.load %arg3[%get3A, %get3A_0] : memref<5000x2xf32, #tpu.memory_space<vmem>>, vector<5000x2xf32>
    %reduce_sum3A = arith.constant dense<0.000000e+00> : vector<5000xf32>
    %reduce_sum3A_2 = vector.multi_reduction <add>, %get3A_1, %reduce_sum3A [1] : vector<5000x2xf32> to vector<5000xf32>
    %broadcast_in_dim3A = vector.shape_cast %reduce_sum3A_2 : vector<5000xf32> to vector<5000x1xf32>
    %add3A = arith.constant 1.000000e+00 : f32
    %add3A_3 = vector.broadcast %add3A : f32 to vector<5000x1xf32>
    %add3A_4 = arith.addf %broadcast_in_dim3A, %add3A_3 : vector<5000x1xf32>
    %rsqrt3A = math.rsqrt %add3A_4 : vector<5000x1xf32>
    %get3A_5 = arith.constant 0 : index
    %get3A_6 = arith.constant 0 : index
    %get3A_7 = vector.load %arg1[%get3A_5, %get3A_6] : memref<5000x128xf32, #tpu.memory_space<vmem>>, vector<5000x128xf32>
    %get3A_8 = arith.constant 0 : index
    %get3A_9 = arith.constant 0 : index
    %get3A_10 = vector.load %arg2[%get3A_8, %get3A_9] : memref<128x128xf32, #tpu.memory_space<vmem>>, vector<128x128xf32>
    %dot_general3A = arith.constant dense<0.000000e+00> : vector<5000x128xf32>
    %dot_general3A_11 = tpu.matmul %get3A_7, %get3A_10, %dot_general3A {dimension_numbers = #tpu.dot_dimension_numbers<[1], [0], [0], [1], [0, 0, 1, 1], [], []>, transpose_lhs_hint = false} : vector<5000x128xf32>, vector<128x128xf32>, vector<5000x128xf32> -> vector<5000x128xf32>
    %mul3A = vector.broadcast %rsqrt3A : vector<5000x1xf32> to vector<5000x128xf32>
    %mul3A_12 = arith.mulf %dot_general3A_11, %mul3A : vector<5000x128xf32>
    %slice3A = vector.extract_strided_slice %mul3A_12 {offsets = [0, 0], sizes = [5000, 64], strides = [1, 1]} : vector<5000x128xf32> to vector<5000x64xf32>
    %swap3A = arith.constant 0 : index
    %swap3A_13 = arith.constant 0 : index
    %swap3A_14 = arith.constant 0 : index
    %swap3A_15 = vector.load %arg4[%swap3A, %swap3A_13, %swap3A_14] : memref<2x5000x64xf32, #tpu.memory_space<vmem>>, vector<1x5000x64xf32>
    %swap3A_16 = vector.shape_cast %swap3A_15 : vector<1x5000x64xf32> to vector<5000x64xf32>
    %swap3A_17 = vector.shape_cast %slice3A : vector<5000x64xf32> to vector<1x5000x64xf32>
    tpu.vector_store %arg4[%swap3A, %swap3A_13, %swap3A_14], %swap3A_17 {strides = array<i32>} : memref<2x5000x64xf32, #tpu.memory_space<vmem>>, vector<1x5000x64xf32>,
    %slice3A_18 = vector.extract_strided_slice %mul3A_12 {offsets = [0, 64], sizes = [5000, 64], strides = [1, 1]} : vector<5000x128xf32> to vector<5000x64xf32>
    %swap3A_19 = arith.constant 1 : index
    %swap3A_20 = arith.constant 0 : index
    %swap3A_21 = arith.constant 0 : index
    %swap3A_22 = vector.load %arg4[%swap3A_19, %swap3A_20, %swap3A_21] : memref<2x5000x64xf32, #tpu.memory_space<vmem>>, vector<1x5000x64xf32>
    %swap3A_23 = vector.shape_cast %swap3A_22 : vector<1x5000x64xf32> to vector<5000x64xf32>
    %swap3A_24 = vector.shape_cast %slice3A_18 : vector<5000x64xf32> to vector<1x5000x64xf32>
    tpu.vector_store %arg4[%swap3A_19, %swap3A_20, %swap3A_21], %swap3A_24 {strides = array<i32>} : memref<2x5000x64xf32, #tpu.memory_space<vmem>>, vector<1x5000x64xf32>,
    %swap3A_25 = arith.constant 0 : index
    %swap3A_26 = arith.constant 0 : index
    %swap3A_27 = vector.load %arg5[%swap3A_25, %swap3A_26] : memref<5000x1xf32, #tpu.memory_space<vmem>>, vector<5000x1xf32>
    tpu.vector_store %arg5[%swap3A_25, %swap3A_26], %rsqrt3A {strides = array<i32>} : memref<5000x1xf32, #tpu.memory_space<vmem>>, vector<5000x1xf32>,
    return
  }
  func.func @transform_0(%arg0: i32) -> (i32, i32) {
    %c0_i32 = arith.constant 0 : i32
    %c0_i32_0 = arith.constant 0 : i32
    return %arg0, %c0_i32 : i32, i32
  }
  func.func @transform_1(%arg0: i32) -> (i32, i32) {
    %c0_i32 = arith.constant 0 : i32
    %c0_i32_0 = arith.constant 0 : i32
    %c0_i32_1 = arith.constant 0 : i32
    return %c0_i32, %c0_i32_0 : i32, i32
  }
  func.func @transform_2(%arg0: i32) -> (i32, i32) {
    %c0_i32 = arith.constant 0 : i32
    %c0_i32_0 = arith.constant 0 : i32
    return %arg0, %c0_i32 : i32, i32
  }
  func.func @transform_3(%arg0: i32) -> (i32, i32, i32) {
    %c0_i32 = arith.constant 0 : i32
    %c0_i32_0 = arith.constant 0 : i32
    %c0_i32_1 = arith.constant 0 : i32
    return %c0_i32, %arg0, %c0_i32_0 : i32, i32, i32
  }
  func.func @transform_4(%arg0: i32) -> (i32, i32) {
    %c0_i32 = arith.constant 0 : i32
    %c0_i32_0 = arith.constant 0 : i32
    return %arg0, %c0_i32 : i32, i32
  }
}

module attributes {stable_mosaic.version = 14 : i64} {
  func.func @body(%arg0: i32, %arg1: memref<2x5000x64xf32, #tpu.memory_space<vmem>>, %arg2: memref<2x5000x64xf32, #tpu.memory_space<vmem>>, %arg3: memref<5000x1xf32, #tpu.memory_space<vmem>>, %arg4: memref<1x128xf32, #tpu.memory_space<vmem>>, %arg5: memref<5000x128xf32, #tpu.memory_space<vmem>>, %arg6: memref<1x1x128xf32, #tpu.memory_space<vmem>>, %arg7: memref<1x1x128xf32, #tpu.memory_space<vmem>>) attributes {dimension_semantics = [#tpu.dimension_semantics<arbitrary>], iteration_bounds = array<i64: 2>, scalar_prefetch = 0 : i64, scratch_operands = 0 : i64, tpu.core_type = #tpu.core_type<tc>, window_params = [{transform_indices = @transform_0, window_bounds = array<i64: 2, 5000, 64>}, {transform_indices = @transform_1, window_bounds = array<i64: 2, 5000, 64>}, {transform_indices = @transform_2, window_bounds = array<i64: 5000, 1>}, {pipeline_mode = #tpu.pipeline_mode<synchronous>, transform_indices = @transform_3, window_bounds = array<i64: 1, 128>}, {transform_indices = @transform_4, window_bounds = array<i64: 5000, 128>}, {transform_indices = @transform_5, window_bounds = array<i64: 1, 1, 128>}, {transform_indices = @transform_6, window_bounds = array<i64: 1, 1, 128>}]} {
    %get3A = arith.constant 0 : index
    %get3A_0 = arith.constant 0 : index
    %get3A_1 = vector.load %arg3[%get3A, %get3A_0] : memref<5000x1xf32, #tpu.memory_space<vmem>>, vector<5000x1xf32>
    %get3A_2 = arith.constant 0 : index
    %get3A_3 = arith.constant 0 : index
    %get3A_4 = arith.constant 0 : index
    %get3A_5 = vector.load %arg1[%get3A_2, %get3A_3, %get3A_4] : memref<2x5000x64xf32, #tpu.memory_space<vmem>>, vector<1x5000x64xf32>
    %get3A_6 = vector.shape_cast %get3A_5 : vector<1x5000x64xf32> to vector<5000x64xf32>
    %get3A_7 = arith.constant 0 : index
    %get3A_8 = arith.constant 0 : index
    %get3A_9 = arith.constant 0 : index
    %get3A_10 = vector.load %arg2[%get3A_7, %get3A_8, %get3A_9] : memref<2x5000x64xf32, #tpu.memory_space<vmem>>, vector<1x5000x64xf32>
    %get3A_11 = vector.shape_cast %get3A_10 : vector<1x5000x64xf32> to vector<5000x64xf32>
    %add3A = arith.addf %get3A_6, %get3A_11 : vector<5000x64xf32>
    %get3A_12 = arith.constant 1 : index
    %get3A_13 = arith.constant 0 : index
    %get3A_14 = arith.constant 0 : index
    %get3A_15 = vector.load %arg1[%get3A_12, %get3A_13, %get3A_14] : memref<2x5000x64xf32, #tpu.memory_space<vmem>>, vector<1x5000x64xf32>
    %get3A_16 = vector.shape_cast %get3A_15 : vector<1x5000x64xf32> to vector<5000x64xf32>
    %get3A_17 = arith.constant 1 : index
    %get3A_18 = arith.constant 0 : index
    %get3A_19 = arith.constant 0 : index
    %get3A_20 = vector.load %arg2[%get3A_17, %get3A_18, %get3A_19] : memref<2x5000x64xf32, #tpu.memory_space<vmem>>, vector<1x5000x64xf32>
    %get3A_21 = vector.shape_cast %get3A_20 : vector<1x5000x64xf32> to vector<5000x64xf32>
    %add3A_22 = arith.addf %get3A_16, %get3A_21 : vector<5000x64xf32>
    %concatenate3A = tpu.concatenate %add3A, %add3A_22 in 1 : vector<5000x64xf32>, vector<5000x64xf32> -> vector<5000x128xf32>
    %mul3A = vector.broadcast %get3A_1 : vector<5000x1xf32> to vector<5000x128xf32>
    %mul3A_23 = arith.mulf %mul3A, %concatenate3A : vector<5000x128xf32>
    %get3A_24 = arith.constant 0 : index
    %get3A_25 = arith.constant 0 : index
    %get3A_26 = vector.load %arg4[%get3A_24, %get3A_25] : memref<1x128xf32, #tpu.memory_space<vmem>>, vector<1x128xf32>
    %add3A_27 = vector.broadcast %get3A_26 : vector<1x128xf32> to vector<5000x128xf32>
    %add3A_28 = arith.addf %mul3A_23, %add3A_27 : vector<5000x128xf32>
    %max3A = arith.constant 0.000000e+00 : f32
    %max3A_29 = vector.broadcast %max3A : f32 to vector<5000x128xf32>
    %max3A_30 = arith.maximumf %add3A_28, %max3A_29 : vector<5000x128xf32>
    %swap3A = arith.constant 0 : index
    %swap3A_31 = arith.constant 0 : index
    %swap3A_32 = vector.load %arg5[%swap3A, %swap3A_31] : memref<5000x128xf32, #tpu.memory_space<vmem>>, vector<5000x128xf32>
    tpu.vector_store %arg5[%swap3A, %swap3A_31], %max3A_30 {strides = array<i32>} : memref<5000x128xf32, #tpu.memory_space<vmem>>, vector<5000x128xf32>,
    %reduce_sum3A = arith.constant dense<0.000000e+00> : vector<128xf32>
    %reduce_sum3A_33 = vector.multi_reduction <add>, %max3A_30, %reduce_sum3A [0] : vector<5000x128xf32> to vector<128xf32>
    %broadcast_in_dim3A = vector.shape_cast %reduce_sum3A_33 : vector<128xf32> to vector<1x128xf32>
    %broadcast_in_dim3A_34 = vector.shape_cast %broadcast_in_dim3A : vector<1x128xf32> to vector<1x1x128xf32>
    %swap3A_35 = arith.constant 0 : index
    %swap3A_36 = arith.constant 0 : index
    %swap3A_37 = arith.constant 0 : index
    %swap3A_38 = vector.load %arg6[%swap3A_35, %swap3A_36, %swap3A_37] : memref<1x1x128xf32, #tpu.memory_space<vmem>>, vector<1x1x128xf32>
    tpu.vector_store %arg6[%swap3A_35, %swap3A_36, %swap3A_37], %broadcast_in_dim3A_34 {strides = array<i32>} : memref<1x1x128xf32, #tpu.memory_space<vmem>>, vector<1x1x128xf32>,
    %mul3A_39 = arith.mulf %max3A_30, %max3A_30 : vector<5000x128xf32>
    %reduce_sum3A_40 = arith.constant dense<0.000000e+00> : vector<128xf32>
    %reduce_sum3A_41 = vector.multi_reduction <add>, %mul3A_39, %reduce_sum3A_40 [0] : vector<5000x128xf32> to vector<128xf32>
    %broadcast_in_dim3A_42 = vector.shape_cast %reduce_sum3A_41 : vector<128xf32> to vector<1x128xf32>
    %broadcast_in_dim3A_43 = vector.shape_cast %broadcast_in_dim3A_42 : vector<1x128xf32> to vector<1x1x128xf32>
    %swap3A_44 = arith.constant 0 : index
    %swap3A_45 = arith.constant 0 : index
    %swap3A_46 = arith.constant 0 : index
    %swap3A_47 = vector.load %arg7[%swap3A_44, %swap3A_45, %swap3A_46] : memref<1x1x128xf32, #tpu.memory_space<vmem>>, vector<1x1x128xf32>
    tpu.vector_store %arg7[%swap3A_44, %swap3A_45, %swap3A_46], %broadcast_in_dim3A_43 {strides = array<i32>} : memref<1x1x128xf32, #tpu.memory_space<vmem>>, vector<1x1x128xf32>,
    return
  }
  func.func @transform_0(%arg0: i32) -> (i32, i32, i32) {
    %c0_i32 = arith.constant 0 : i32
    %c0_i32_0 = arith.constant 0 : i32
    %c0_i32_1 = arith.constant 0 : i32
    return %c0_i32, %arg0, %c0_i32_0 : i32, i32, i32
  }
  func.func @transform_1(%arg0: i32) -> (i32, i32, i32) {
    %c0_i32 = arith.constant 0 : i32
    %c0_i32_0 = arith.constant 0 : i32
    %c0_i32_1 = arith.constant 0 : i32
    return %c0_i32, %arg0, %c0_i32_0 : i32, i32, i32
  }
  func.func @transform_2(%arg0: i32) -> (i32, i32) {
    %c0_i32 = arith.constant 0 : i32
    %c0_i32_0 = arith.constant 0 : i32
    return %arg0, %c0_i32 : i32, i32
  }
  func.func @transform_3(%arg0: i32) -> (i32, i32) {
    %c0_i32 = arith.constant 0 : i32
    %c0_i32_0 = arith.constant 0 : i32
    %c0_i32_1 = arith.constant 0 : i32
    return %c0_i32, %c0_i32_0 : i32, i32
  }
  func.func @transform_4(%arg0: i32) -> (i32, i32) {
    %c0_i32 = arith.constant 0 : i32
    %c0_i32_0 = arith.constant 0 : i32
    return %arg0, %c0_i32 : i32, i32
  }
  func.func @transform_5(%arg0: i32) -> (i32, i32, i32) {
    %c0_i32 = arith.constant 0 : i32
    %c0_i32_0 = arith.constant 0 : i32
    %c0_i32_1 = arith.constant 0 : i32
    return %arg0, %c0_i32, %c0_i32_0 : i32, i32, i32
  }
  func.func @transform_6(%arg0: i32) -> (i32, i32, i32) {
    %c0_i32 = arith.constant 0 : i32
    %c0_i32_0 = arith.constant 0 : i32
    %c0_i32_1 = arith.constant 0 : i32
    return %arg0, %c0_i32, %c0_i32_0 : i32, i32, i32
  }
}

module attributes {stable_mosaic.version = 14 : i64} {
  func.func @body(%arg0: i32, %arg1: memref<5000x128xf32, #tpu.memory_space<vmem>>, %arg2: memref<2x1x128xf32, #tpu.memory_space<vmem>>, %arg3: memref<2x1x128xf32, #tpu.memory_space<vmem>>, %arg4: memref<5000x1xf32, #tpu.memory_space<vmem>>, %arg5: memref<1x128xf32, #tpu.memory_space<vmem>>, %arg6: memref<1x128xf32, #tpu.memory_space<vmem>>, %arg7: memref<128x128xf32, #tpu.memory_space<vmem>>, %arg8: memref<1x2xf32, #tpu.memory_space<vmem>>, %arg9: memref<2x5000x64xf32, #tpu.memory_space<vmem>>) attributes {dimension_semantics = [#tpu.dimension_semantics<arbitrary>], iteration_bounds = array<i64: 2>, scalar_prefetch = 0 : i64, scratch_operands = 0 : i64, tpu.core_type = #tpu.core_type<tc>, window_params = [{transform_indices = @transform_0, window_bounds = array<i64: 5000, 128>}, {pipeline_mode = #tpu.pipeline_mode<synchronous>, transform_indices = @transform_1, window_bounds = array<i64: 2, 1, 128>}, {pipeline_mode = #tpu.pipeline_mode<synchronous>, transform_indices = @transform_2, window_bounds = array<i64: 2, 1, 128>}, {transform_indices = @transform_3, window_bounds = array<i64: 5000, 1>}, {pipeline_mode = #tpu.pipeline_mode<synchronous>, transform_indices = @transform_4, window_bounds = array<i64: 1, 128>}, {pipeline_mode = #tpu.pipeline_mode<synchronous>, transform_indices = @transform_5, window_bounds = array<i64: 1, 128>}, {pipeline_mode = #tpu.pipeline_mode<synchronous>, transform_indices = @transform_6, window_bounds = array<i64: 128, 128>}, {pipeline_mode = #tpu.pipeline_mode<synchronous>, transform_indices = @transform_7, window_bounds = array<i64: 1, 2>}, {transform_indices = @transform_8, window_bounds = array<i64: 2, 5000, 64>}]} {
    %get3A = arith.constant 0 : index
    %get3A_0 = arith.constant 0 : index
    %get3A_1 = vector.load %arg8[%get3A, %get3A_0] : memref<1x2xf32, #tpu.memory_space<vmem>>, vector<1x1xf32>
    %get3A_2 = vector.extract %get3A_1[0, 0] : f32 from vector<1x1xf32>
    %gt3A = arith.constant 0.000000e+00 : f32
    %gt3A_3 = arith.cmpf ogt, %get3A_2, %gt3A : f32
    %get3A_4 = arith.constant 0 : index
    %get3A_5 = arith.constant 1 : index
    %get3A_6 = vector.load %arg8[%get3A_4, %get3A_5] : memref<1x2xf32, #tpu.memory_space<vmem>>, vector<1x1xf32>
    %get3A_7 = vector.extract %get3A_6[0, 0] : f32 from vector<1x1xf32>
    %gt3A_8 = arith.constant 0.000000e+00 : f32
    %gt3A_9 = arith.cmpf ogt, %get3A_7, %gt3A_8 : f32
    %get3A_10 = arith.constant 0 : index
    %get3A_11 = arith.constant 0 : index
    %get3A_12 = arith.constant 0 : index
    %get3A_13 = vector.load %arg2[%get3A_10, %get3A_11, %get3A_12] : memref<2x1x128xf32, #tpu.memory_space<vmem>>, vector<2x1x128xf32>
    %reduce_sum3A = arith.constant dense<0.000000e+00> : vector<1x128xf32>
    %reduce_sum3A_14 = vector.multi_reduction <add>, %get3A_13, %reduce_sum3A [0] : vector<2x1x128xf32> to vector<1x128xf32>
    %mul3A = arith.constant 9.99999974E-5 : f32
    %mul3A_15 = vector.broadcast %mul3A : f32 to vector<1x128xf32>
    %mul3A_16 = arith.mulf %reduce_sum3A_14, %mul3A_15 : vector<1x128xf32>
    %get3A_17 = arith.constant 0 : index
    %get3A_18 = arith.constant 0 : index
    %get3A_19 = arith.constant 0 : index
    %get3A_20 = vector.load %arg3[%get3A_17, %get3A_18, %get3A_19] : memref<2x1x128xf32, #tpu.memory_space<vmem>>, vector<2x1x128xf32>
    %reduce_sum3A_21 = arith.constant dense<0.000000e+00> : vector<1x128xf32>
    %reduce_sum3A_22 = vector.multi_reduction <add>, %get3A_20, %reduce_sum3A_21 [0] : vector<2x1x128xf32> to vector<1x128xf32>
    %mul3A_23 = arith.constant 9.99999974E-5 : f32
    %mul3A_24 = vector.broadcast %mul3A_23 : f32 to vector<1x128xf32>
    %mul3A_25 = arith.mulf %reduce_sum3A_22, %mul3A_24 : vector<1x128xf32>
    %mul3A_26 = arith.mulf %mul3A_16, %mul3A_16 : vector<1x128xf32>
    %sub3A = arith.subf %mul3A_25, %mul3A_26 : vector<1x128xf32>
    %get3A_27 = arith.constant 0 : index
    %get3A_28 = arith.constant 0 : index
    %get3A_29 = vector.load %arg1[%get3A_27, %get3A_28] : memref<5000x128xf32, #tpu.memory_space<vmem>>, vector<5000x128xf32>
    %get3A_30 = arith.constant 0 : index
    %get3A_31 = arith.constant 0 : index
    %get3A_32 = vector.load %arg5[%get3A_30, %get3A_31] : memref<1x128xf32, #tpu.memory_space<vmem>>, vector<1x128xf32>
    %sub3A_33 = vector.broadcast %mul3A_16 : vector<1x128xf32> to vector<5000x128xf32>
    %sub3A_34 = arith.subf %get3A_29, %sub3A_33 : vector<5000x128xf32>
    %mul3A_35 = vector.broadcast %get3A_32 : vector<1x128xf32> to vector<5000x128xf32>
    %mul3A_36 = arith.mulf %mul3A_35, %sub3A_34 : vector<5000x128xf32>
    %add3A = arith.constant 9.99999974E-6 : f32
    %add3A_37 = vector.broadcast %add3A : f32 to vector<1x128xf32>
    %add3A_38 = arith.addf %sub3A, %add3A_37 : vector<1x128xf32>
    %rsqrt3A = math.rsqrt %add3A_38 : vector<1x128xf32>
    %mul3A_39 = vector.broadcast %rsqrt3A : vector<1x128xf32> to vector<5000x128xf32>
    %mul3A_40 = arith.mulf %mul3A_36, %mul3A_39 : vector<5000x128xf32>
    %get3A_41 = arith.constant 0 : index
    %get3A_42 = arith.constant 0 : index
    %get3A_43 = vector.load %arg6[%get3A_41, %get3A_42] : memref<1x128xf32, #tpu.memory_space<vmem>>, vector<1x128xf32>
    %add3A_44 = vector.broadcast %get3A_43 : vector<1x128xf32> to vector<5000x128xf32>
    %add3A_45 = arith.addf %mul3A_40, %add3A_44 : vector<5000x128xf32>
    %select_n3A = arith.select %gt3A_3, %add3A_45, %get3A_29 : vector<5000x128xf32>
    %get3A_46 = arith.constant 0 : index
    %get3A_47 = arith.constant 0 : index
    %get3A_48 = vector.load %arg7[%get3A_46, %get3A_47] : memref<128x128xf32, #tpu.memory_space<vmem>>, vector<128x128xf32>
    %dot_general3A = arith.constant dense<0.000000e+00> : vector<5000x128xf32>
    %dot_general3A_49 = tpu.matmul %select_n3A, %get3A_48, %dot_general3A {dimension_numbers = #tpu.dot_dimension_numbers<[1], [0], [0], [1], [0, 0, 1, 1], [], []>, transpose_lhs_hint = false} : vector<5000x128xf32>, vector<128x128xf32>, vector<5000x128xf32> -> vector<5000x128xf32>
    %get3A_50 = arith.constant 0 : index
    %get3A_51 = arith.constant 0 : index
    %get3A_52 = vector.load %arg4[%get3A_50, %get3A_51] : memref<5000x1xf32, #tpu.memory_space<vmem>>, vector<5000x1xf32>
    %mul3A_53 = vector.broadcast %get3A_52 : vector<5000x1xf32> to vector<5000x128xf32>
    %mul3A_54 = arith.mulf %dot_general3A_49, %mul3A_53 : vector<5000x128xf32>
    %select_n3A_55 = arith.select %gt3A_9, %select_n3A, %mul3A_54 : vector<5000x128xf32>
    %slice3A = vector.extract_strided_slice %select_n3A_55 {offsets = [0, 0], sizes = [5000, 64], strides = [1, 1]} : vector<5000x128xf32> to vector<5000x64xf32>
    %swap3A = arith.constant 0 : index
    %swap3A_56 = arith.constant 0 : index
    %swap3A_57 = arith.constant 0 : index
    %swap3A_58 = vector.load %arg9[%swap3A, %swap3A_56, %swap3A_57] : memref<2x5000x64xf32, #tpu.memory_space<vmem>>, vector<1x5000x64xf32>
    %swap3A_59 = vector.shape_cast %swap3A_58 : vector<1x5000x64xf32> to vector<5000x64xf32>
    %swap3A_60 = vector.shape_cast %slice3A : vector<5000x64xf32> to vector<1x5000x64xf32>
    tpu.vector_store %arg9[%swap3A, %swap3A_56, %swap3A_57], %swap3A_60 {strides = array<i32>} : memref<2x5000x64xf32, #tpu.memory_space<vmem>>, vector<1x5000x64xf32>,
    %slice3A_61 = vector.extract_strided_slice %select_n3A_55 {offsets = [0, 64], sizes = [5000, 64], strides = [1, 1]} : vector<5000x128xf32> to vector<5000x64xf32>
    %swap3A_62 = arith.constant 1 : index
    %swap3A_63 = arith.constant 0 : index
    %swap3A_64 = arith.constant 0 : index
    %swap3A_65 = vector.load %arg9[%swap3A_62, %swap3A_63, %swap3A_64] : memref<2x5000x64xf32, #tpu.memory_space<vmem>>, vector<1x5000x64xf32>
    %swap3A_66 = vector.shape_cast %swap3A_65 : vector<1x5000x64xf32> to vector<5000x64xf32>
    %swap3A_67 = vector.shape_cast %slice3A_61 : vector<5000x64xf32> to vector<1x5000x64xf32>
    tpu.vector_store %arg9[%swap3A_62, %swap3A_63, %swap3A_64], %swap3A_67 {strides = array<i32>} : memref<2x5000x64xf32, #tpu.memory_space<vmem>>, vector<1x5000x64xf32>,
    return
  }
  func.func @transform_0(%arg0: i32) -> (i32, i32) {
    %c0_i32 = arith.constant 0 : i32
    %c0_i32_0 = arith.constant 0 : i32
    return %arg0, %c0_i32 : i32, i32
  }
  func.func @transform_1(%arg0: i32) -> (i32, i32, i32) {
    %c0_i32 = arith.constant 0 : i32
    %c0_i32_0 = arith.constant 0 : i32
    %c0_i32_1 = arith.constant 0 : i32
    %c0_i32_2 = arith.constant 0 : i32
    return %c0_i32, %c0_i32_0, %c0_i32_1 : i32, i32, i32
  }
  func.func @transform_2(%arg0: i32) -> (i32, i32, i32) {
    %c0_i32 = arith.constant 0 : i32
    %c0_i32_0 = arith.constant 0 : i32
    %c0_i32_1 = arith.constant 0 : i32
    %c0_i32_2 = arith.constant 0 : i32
    return %c0_i32, %c0_i32_0, %c0_i32_1 : i32, i32, i32
  }
  func.func @transform_3(%arg0: i32) -> (i32, i32) {
    %c0_i32 = arith.constant 0 : i32
    %c0_i32_0 = arith.constant 0 : i32
    return %arg0, %c0_i32 : i32, i32
  }
  func.func @transform_4(%arg0: i32) -> (i32, i32) {
    %c0_i32 = arith.constant 0 : i32
    %c0_i32_0 = arith.constant 0 : i32
    %c0_i32_1 = arith.constant 0 : i32
    return %c0_i32, %c0_i32_0 : i32, i32
  }
  func.func @transform_5(%arg0: i32) -> (i32, i32) {
    %c0_i32 = arith.constant 0 : i32
    %c0_i32_0 = arith.constant 0 : i32
    %c0_i32_1 = arith.constant 0 : i32
    return %c0_i32, %c0_i32_0 : i32, i32
  }
  func.func @transform_6(%arg0: i32) -> (i32, i32) {
    %c0_i32 = arith.constant 0 : i32
    %c0_i32_0 = arith.constant 0 : i32
    %c0_i32_1 = arith.constant 0 : i32
    return %c0_i32, %c0_i32_0 : i32, i32
  }
  func.func @transform_7(%arg0: i32) -> (i32, i32) {
    %c0_i32 = arith.constant 0 : i32
    %c0_i32_0 = arith.constant 0 : i32
    %c0_i32_1 = arith.constant 0 : i32
    return %c0_i32, %c0_i32_0 : i32, i32
  }
  func.func @transform_8(%arg0: i32) -> (i32, i32, i32) {
    %c0_i32 = arith.constant 0 : i32
    %c0_i32_0 = arith.constant 0 : i32
    %c0_i32_1 = arith.constant 0 : i32
    return %c0_i32, %arg0, %c0_i32_0 : i32, i32, i32
  }
}

module attributes {stable_mosaic.version = 14 : i64} {
  func.func @_tc_pool_body(%arg0: i32, %arg1: memref<2x5000x64xf32, #tpu.memory_space<vmem>>, %arg2: memref<5000x1xi32, #tpu.memory_space<vmem>>, %arg3: memref<128x10xf32, #tpu.memory_space<vmem>>, %arg4: memref<1x10xf32, #tpu.memory_space<vmem>>, %arg5: memref<64x10xf32, #tpu.memory_space<vmem>>, %arg6: memref<64x128xf32, #tpu.memory_space<vmem>>, %arg7: memref<64x128xf32, #tpu.memory_space<vmem>>) attributes {dimension_semantics = [#tpu.dimension_semantics<arbitrary>], iteration_bounds = array<i64: 2>, scalar_prefetch = 0 : i64, scratch_operands = 2 : i64, tpu.core_type = #tpu.core_type<tc>, window_params = [{transform_indices = @transform_0, window_bounds = array<i64: 2, 5000, 64>}, {transform_indices = @transform_1, window_bounds = array<i64: 5000, 1>}, {pipeline_mode = #tpu.pipeline_mode<synchronous>, transform_indices = @transform_2, window_bounds = array<i64: 128, 10>}, {pipeline_mode = #tpu.pipeline_mode<synchronous>, transform_indices = @transform_3, window_bounds = array<i64: 1, 10>}, {pipeline_mode = #tpu.pipeline_mode<synchronous>, transform_indices = @transform_4, window_bounds = array<i64: 64, 10>}]} {
    %eq3A = arith.constant 0 : i32
    %eq3A_0 = arith.cmpi eq, %arg0, %eq3A : i32
    %convert_element_type3A = arith.extui %eq3A_0 : i1 to i32
    %cond3A = arith.constant 0 : i32
    %cond3A_1 = arith.cmpi ne, %convert_element_type3A, %cond3A : i32
    scf.if %cond3A_1 {
      %broadcast_in_dim3A_40 = arith.constant 0.000000e+00 : f32
      %broadcast_in_dim3A_41 = vector.broadcast %broadcast_in_dim3A_40 : f32 to vector<64x128xf32>
      %swap3A_42 = arith.constant 0 : index
      %swap3A_43 = arith.constant 0 : index
      %swap3A_44 = vector.load %arg6[%swap3A_42, %swap3A_43] : memref<64x128xf32, #tpu.memory_space<vmem>>, vector<64x128xf32>
      tpu.vector_store %arg6[%swap3A_42, %swap3A_43], %broadcast_in_dim3A_41 {strides = array<i32>} : memref<64x128xf32, #tpu.memory_space<vmem>>, vector<64x128xf32>,
      %broadcast_in_dim3A_45 = arith.constant 0.000000e+00 : f32
      %broadcast_in_dim3A_46 = vector.broadcast %broadcast_in_dim3A_45 : f32 to vector<64x128xf32>
      %swap3A_47 = arith.constant 0 : index
      %swap3A_48 = arith.constant 0 : index
      %swap3A_49 = vector.load %arg7[%swap3A_47, %swap3A_48] : memref<64x128xf32, #tpu.memory_space<vmem>>, vector<64x128xf32>
      tpu.vector_store %arg7[%swap3A_47, %swap3A_48], %broadcast_in_dim3A_46 {strides = array<i32>} : memref<64x128xf32, #tpu.memory_space<vmem>>, vector<64x128xf32>,
    } else {
    }
    %get3A = arith.constant 0 : index
    %get3A_2 = arith.constant 0 : index
    %get3A_3 = arith.constant 0 : index
    %get3A_4 = vector.load %arg1[%get3A, %get3A_2, %get3A_3] : memref<2x5000x64xf32, #tpu.memory_space<vmem>>, vector<1x5000x64xf32>
    %get3A_5 = vector.shape_cast %get3A_4 : vector<1x5000x64xf32> to vector<5000x64xf32>
    %get3A_6 = arith.constant 1 : index
    %get3A_7 = arith.constant 0 : index
    %get3A_8 = arith.constant 0 : index
    %get3A_9 = vector.load %arg1[%get3A_6, %get3A_7, %get3A_8] : memref<2x5000x64xf32, #tpu.memory_space<vmem>>, vector<1x5000x64xf32>
    %get3A_10 = vector.shape_cast %get3A_9 : vector<1x5000x64xf32> to vector<5000x64xf32>
    %concatenate3A = tpu.concatenate %get3A_5, %get3A_10 in 1 : vector<5000x64xf32>, vector<5000x64xf32> -> vector<5000x128xf32>
    %iota3A = tpu.iota {dimensions = array<i32: 1>} : vector<5000x64xi32>
    %get3A_11 = arith.constant 0 : index
    %get3A_12 = arith.constant 0 : index
    %get3A_13 = vector.load %arg2[%get3A_11, %get3A_12] : memref<5000x1xi32, #tpu.memory_space<vmem>>, vector<5000x1xi32>
    %eq3A_14 = vector.broadcast %get3A_13 : vector<5000x1xi32> to vector<5000x64xi32>
    %eq3A_15 = arith.cmpi eq, %iota3A, %eq3A_14 : vector<5000x64xi32>
    %convert_element_type3A_16 = arith.extui %eq3A_15 : vector<5000x64xi1> to vector<5000x64xi32>
    %convert_element_type3A_17 = arith.sitofp %convert_element_type3A_16 : vector<5000x64xi32> to vector<5000x64xf32>
    %get3A_18 = arith.constant 0 : index
    %get3A_19 = arith.constant 0 : index
    %get3A_20 = vector.load %arg6[%get3A_18, %get3A_19] : memref<64x128xf32, #tpu.memory_space<vmem>>, vector<64x128xf32>
    %dot_general3A = arith.constant dense<0.000000e+00> : vector<64x128xf32>
    %dot_general3A_21 = tpu.matmul %convert_element_type3A_17, %concatenate3A, %dot_general3A {dimension_numbers = #tpu.dot_dimension_numbers<[0], [0], [1], [1], [0, 1, 1, 1], [], []>, precision = #tpu.contract_precision<fp32>, transpose_lhs_hint = false} : vector<5000x64xf32>, vector<5000x128xf32>, vector<64x128xf32> -> vector<64x128xf32>
    %add3A = arith.addf %get3A_20, %dot_general3A_21 : vector<64x128xf32>
    %swap3A = arith.constant 0 : index
    %swap3A_22 = arith.constant 0 : index
    %swap3A_23 = vector.load %arg6[%swap3A, %swap3A_22] : memref<64x128xf32, #tpu.memory_space<vmem>>, vector<64x128xf32>
    tpu.vector_store %arg6[%swap3A, %swap3A_22], %add3A {strides = array<i32>} : memref<64x128xf32, #tpu.memory_space<vmem>>, vector<64x128xf32>,
    %get3A_24 = arith.constant 0 : index
    %get3A_25 = arith.constant 0 : index
    %get3A_26 = vector.load %arg7[%get3A_24, %get3A_25] : memref<64x128xf32, #tpu.memory_space<vmem>>, vector<64x128xf32>
    %broadcast_in_dim3A = arith.constant 1.000000e+00 : f32
    %broadcast_in_dim3A_27 = vector.broadcast %broadcast_in_dim3A : f32 to vector<5000x1xf32>
    %dot_general3A_28 = arith.constant dense<0.000000e+00> : vector<64x1xf32>
    %dot_general3A_29 = tpu.matmul %convert_element_type3A_17, %broadcast_in_dim3A_27, %dot_general3A_28 {dimension_numbers = #tpu.dot_dimension_numbers<[0], [0], [1], [1], [0, 1, 1, 1], [], []>, precision = #tpu.contract_precision<fp32>, transpose_lhs_hint = false} : vector<5000x64xf32>, vector<5000x1xf32>, vector<64x1xf32> -> vector<64x1xf32>
    %add3A_30 = vector.broadcast %dot_general3A_29 : vector<64x1xf32> to vector<64x128xf32>
    %add3A_31 = arith.addf %get3A_26, %add3A_30 : vector<64x128xf32>
    %swap3A_32 = arith.constant 0 : index
    %swap3A_33 = arith.constant 0 : index
    %swap3A_34 = vector.load %arg7[%swap3A_32, %swap3A_33] : memref<64x128xf32, #tpu.memory_space<vmem>>, vector<64x128xf32>
    tpu.vector_store %arg7[%swap3A_32, %swap3A_33], %add3A_31 {strides = array<i32>} : memref<64x128xf32, #tpu.memory_space<vmem>>, vector<64x128xf32>,
    %eq3A_35 = arith.constant 1 : i32
    %eq3A_36 = arith.cmpi eq, %arg0, %eq3A_35 : i32
    %convert_element_type3A_37 = arith.extui %eq3A_36 : i1 to i32
    %cond3A_38 = arith.constant 0 : i32
    %cond3A_39 = arith.cmpi ne, %convert_element_type3A_37, %cond3A_38 : i32
    scf.if %cond3A_39 {
      %get3A_40 = arith.constant 0 : index
      %get3A_41 = arith.constant 0 : index
      %get3A_42 = vector.load %arg6[%get3A_40, %get3A_41] : memref<64x128xf32, #tpu.memory_space<vmem>>, vector<64x128xf32>
      %get3A_43 = arith.constant 0 : index
      %get3A_44 = arith.constant 0 : index
      %get3A_45 = vector.load %arg7[%get3A_43, %get3A_44] : memref<64x128xf32, #tpu.memory_space<vmem>>, vector<64x1xf32>
      %max3A = arith.constant 1.000000e+00 : f32
      %max3A_46 = vector.broadcast %max3A : f32 to vector<64x1xf32>
      %max3A_47 = arith.maximumf %get3A_45, %max3A_46 : vector<64x1xf32>
      %div3A = vector.broadcast %max3A_47 : vector<64x1xf32> to vector<64x128xf32>
      %div3A_48 = arith.divf %get3A_42, %div3A : vector<64x128xf32>
      %get3A_49 = arith.constant 0 : index
      %get3A_50 = arith.constant 0 : index
      %get3A_51 = vector.load %arg3[%get3A_49, %get3A_50] : memref<128x10xf32, #tpu.memory_space<vmem>>, vector<128x10xf32>
      %dot_general3A_52 = arith.constant dense<0.000000e+00> : vector<64x10xf32>
      %dot_general3A_53 = tpu.matmul %div3A_48, %get3A_51, %dot_general3A_52 {dimension_numbers = #tpu.dot_dimension_numbers<[1], [0], [0], [1], [0, 0, 1, 1], [], []>, transpose_lhs_hint = false} : vector<64x128xf32>, vector<128x10xf32>, vector<64x10xf32> -> vector<64x10xf32>
      %get3A_54 = arith.constant 0 : index
      %get3A_55 = arith.constant 0 : index
      %get3A_56 = vector.load %arg4[%get3A_54, %get3A_55] : memref<1x10xf32, #tpu.memory_space<vmem>>, vector<1x10xf32>
      %add3A_57 = vector.broadcast %get3A_56 : vector<1x10xf32> to vector<64x10xf32>
      %add3A_58 = arith.addf %dot_general3A_53, %add3A_57 : vector<64x10xf32>
      %swap3A_59 = arith.constant 0 : index
      %swap3A_60 = arith.constant 0 : index
      %swap3A_61 = vector.load %arg5[%swap3A_59, %swap3A_60] : memref<64x10xf32, #tpu.memory_space<vmem>>, vector<64x10xf32>
      tpu.vector_store %arg5[%swap3A_59, %swap3A_60], %add3A_58 {strides = array<i32>} : memref<64x10xf32, #tpu.memory_space<vmem>>, vector<64x10xf32>,
    } else {
    }
    return
  }
  func.func @transform_0(%arg0: i32) -> (i32, i32, i32) {
    %c0_i32 = arith.constant 0 : i32
    %c0_i32_0 = arith.constant 0 : i32
    %c0_i32_1 = arith.constant 0 : i32
    return %c0_i32, %arg0, %c0_i32_0 : i32, i32, i32
  }
  func.func @transform_1(%arg0: i32) -> (i32, i32) {
    %c0_i32 = arith.constant 0 : i32
    %c0_i32_0 = arith.constant 0 : i32
    return %arg0, %c0_i32 : i32, i32
  }
  func.func @transform_2(%arg0: i32) -> (i32, i32) {
    %c0_i32 = arith.constant 0 : i32
    %c0_i32_0 = arith.constant 0 : i32
    %c0_i32_1 = arith.constant 0 : i32
    return %c0_i32, %c0_i32_0 : i32, i32
  }
  func.func @transform_3(%arg0: i32) -> (i32, i32) {
    %c0_i32 = arith.constant 0 : i32
    %c0_i32_0 = arith.constant 0 : i32
    %c0_i32_1 = arith.constant 0 : i32
    return %c0_i32, %c0_i32_0 : i32, i32
  }
  func.func @transform_4(%arg0: i32) -> (i32, i32) {
    %c0_i32 = arith.constant 0 : i32
    %c0_i32_0 = arith.constant 0 : i32
    %c0_i32_1 = arith.constant 0 : i32
    return %c0_i32, %c0_i32_0 : i32, i32
  }
}

</mosaic_0001>

<sc_bundles>
// kernel: closed_call.29.cloned.1.call-start
scs
__scs_entry_jumppad:
0x0: {  	(pc) =	sbr.rel $0x88, $3  }
0x1: {  	(tag) =	ssettag $0x0;
	lr =	simm.s32 $0x1  }
0x2: {  	[smem:$0x3F92] =	sst lr;
	_ =	strace $0xD0000000  }
0x3: {  	_ = 	snop  }
0x4: {  	_ = 	snop  }
0x5: {  	_ = 	snop  }
0x6: {  	_ = 	snop  }
0x7: {  	_ = 	snop  }
__scs_overlays_trampoline_lowered:
0x8: {  	[smem:$0x3FA1] =	sst s0  }
0x9: {  	[smem:$0x3FA2] =	sst s1  }
0xa: {  	[smem:$0x3FA3] =	sst s2  }
0xb: {  	[smem:$0x3FA4] =	sst s3  }
0xc: {  	[smem:$0x3FA5] =	sst s4  }
0xd: {  	[smem:$0x3FA6] =	sst s5  }
0xe: {  	[smem:$0x3FA7] =	sst s6  }
0xf: {  	[smem:$0x3FA8] =	sst s7  }
0x10: {  	[smem:$0x3FA9] =	sst s8  }
0x11: {  	[smem:$0x3FAA] =	sst s9;
	s0 =	simm.s32 @!p0 $0x0  }
0x12: {  	s1 =	sld [smem:$0x3F90];
	s0 =	simm.s32 @p0 $0x1  }
0x13: {  	[smem:$0x3FAB] =	sst s0;
	s0 =	simm.s32 @!p1 $0x0  }
0x14: {  	s2 =	sld [smem:$0x3F8F];
	s0 =	simm.s32 @p1 $0x1  }
0x15: {  	[smem:$0x3FAC] =	sst s0;
	s0 =	simm.s32 @!p2 $0x0  }
0x16: {  	s3 =	sld [smem:$0x3FDB];
	s0 =	simm.s32 @p2 $0x1  }
0x17: {  	s4 =	simm.s32 $0x1BF5;
	[smem:$0x3FAE] =	sst s0  }
0x18: {  	s0 =	sld [smem:$0x3F91];
	_ =	swait.ge [sflag:s4], $0x0  }
0x19: {  	s7 =	sld [smem:$0x3F92]  }
0x1a: {  	s8 =	sadd.s32 $0xFFFFE003, lr  }
0x1b: {  	s9 =	sadd.s32 $0xFFFFFEF7, lr;
	s5 =	simm.s32 $0xFFFFFFFF;
	p2 =	slt.u32 s8, $0xFFFFF086  }
0x1c: {  	p1 =	slt.u32 s9, $0xF7A;
	s5 =	simm.s32 @!p2 $0x0  }
0x1d: {  	s5 =	simm.s32 @p1 $0x1;
	p0 =	seq.s32 s7, s2  }
0x1e: {  	s7 =	smul.u32 @!p0 $0xF7A, s2;
	p2 =	seq.s32 @!p0 s5, $0x0  }
0x1f: {  	s9 =	smul.u32 $0xF7A, s1;
	s8 =	simm.s32 @!p0 $0x1BF5;
	p2 =	por !p2, p0  }
0x20: {  	[sflag:s8] =	ssyncset.s32 @!p0 $0xFFFFF086;
	s6 =	sadd.s32 @!p0 s3, s7;
	s7 =	simm.s32 @!p0 $0x108  }
0x21: {  	s3 =	sadd.s32 s3, s9;
	s6 =	sadd.s32 @!p0 $0x88, s6;
	s7 =	simm.s32 @p2 $0x1082  }
0x22: {  	[simem:s7], [sflag:s8] =	dma.local @!p0 [hbm:s6], $0xF7A  }
0x23: {  	s9 =	sor.u32 $0xD0000000, s2;
	s6 =	simm.s32 $0x108;
	_ =	swait.ge @!p0 [sflag:s8], $0x0  }
0x24: {  	s3 =	sadd.s32 $0x88, s3;
	s6 =	simm.s32 @!p1 $0x1082;
	[sflag:s4] =	ssyncset.s32 $0xFFFFF086  }
0x25: {  	[simem:s6], [sflag:s4] =	dma.local [hbm:s3], $0xF7A  }
0x26: {  	[smem:$0x3F92] =	sst s1;
	(tag) =	ssettag s2;
	_ =	strace s9  }
0x27: {  	s1 =	sld [smem:$0x3FA2]  }
0x28: {  	s2 =	sld [smem:$0x3FA3]  }
0x29: {  	s4 =	sld [smem:$0x3FA5]  }
0x2a: {  	p0 =	seq.s32 s5, $0x0;
	s5 =	sld [smem:$0x3FA6]  }
0x2b: {  	s6 =	sld [smem:$0x3FA7]  }
0x2c: {  	s7 =	sld [smem:$0x3FA8]  }
0x2d: {  	s3 =	simm.s32 $0x108;
	s8 =	sld [smem:$0x3FA9]  }
0x2e: {  	s3 =	simm.s32 @!p0 $0x1082;
	s9 =	sld [smem:$0x3FAA]  }
0x2f: {  	lr =	sadd.s32 s0, s3;
	s0 =	sld [smem:$0x3FA1]  }
0x30: {  	s3 =	sld [smem:$0x3FA4]  }
0x31: {  	[smem:$0x3FAD] =	sst s10  }
0x32: {  	s10 =	sld [smem:$0x3FAB];
	_ =	sdelay $0x3  }
0x33: {  	p0 =	seq.s32 s10, $0x1;
	s10 =	sld [smem:$0x3FAD];
	_ =	sdelay $0x3  }
0x34: {  	[smem:$0x3FAD] =	sst s10  }
0x35: {  	s10 =	sld [smem:$0x3FAC];
	_ =	sdelay $0x3  }
0x36: {  	p1 =	seq.s32 s10, $0x1;
	s10 =	sld [smem:$0x3FAD];
	_ =	sdelay $0x3  }
0x37: {  	[smem:$0x3FAD] =	sst s10  }
0x38: {  	s10 =	sld [smem:$0x3FAE]  }
0x39: {  	_ = 	snop;
	(pc) =	sbr.ind lr, $3  }
0x3a: {  	_ = 	snop  }
0x3b: {  	_ = 	snop  }
0x3c: {  	p2 =	seq.s32 s10, $0x1;
	s10 =	sld [smem:$0x3FAD]  }
0x3d: {  	_ =	shalt  }
0x3e: {  	_ =	shalt  }
0x3f: {  	_ =	shalt  }
0x40: {  	_ =	shalt  }
0x41: {  	_ =	shalt  }
0x42: {  	_ =	shalt  }
0x43: {  	_ =	shalt  }
0x44: {  	_ =	shalt  }
0x45: {  	_ =	shalt  }
0x46: {  	_ =	shalt  }
0x47: {  	_ =	shalt  }
0x48: {  	_ =	shalt  }
0x49: {  	_ =	shalt  }
0x4a: {  	_ =	shalt  }
0x4b: {  	_ =	shalt  }
0x4c: {  	_ =	shalt  }
0x4d: {  	_ =	shalt  }
0x4e: {  	_ =	shalt  }
0x4f: {  	_ =	shalt  }
0x50: {  	_ =	shalt  }
0x51: {  	_ =	shalt  }
0x52: {  	_ =	shalt  }
0x53: {  	_ =	shalt  }
0x54: {  	_ =	shalt  }
0x55: {  	_ =	shalt  }
0x56: {  	_ =	shalt  }
0x57: {  	_ =	shalt  }
0x58: {  	_ =	shalt  }
0x59: {  	_ =	shalt  }
0x5a: {  	_ =	shalt  }
0x5b: {  	_ =	shalt  }
0x5c: {  	_ =	shalt  }
0x5d: {  	_ =	shalt  }
0x5e: {  	_ =	shalt  }
0x5f: {  	_ =	shalt  }
0x60: {  	_ =	shalt  }
0x61: {  	_ =	shalt  }
0x62: {  	_ =	shalt  }
0x63: {  	_ =	shalt  }
0x64: {  	_ =	shalt  }
0x65: {  	_ =	shalt  }
0x66: {  	_ =	shalt  }
0x67: {  	_ =	shalt  }
0x68: {  	_ =	shalt  }
0x69: {  	_ =	shalt  }
0x6a: {  	_ =	shalt  }
0x6b: {  	_ =	shalt  }
0x6c: {  	_ =	shalt  }
0x6d: {  	_ =	shalt  }
0x6e: {  	_ =	shalt  }
0x6f: {  	_ =	shalt  }
0x70: {  	_ =	shalt  }
0x71: {  	_ =	shalt  }
0x72: {  	_ =	shalt  }
0x73: {  	_ =	shalt  }
0x74: {  	_ =	shalt  }
0x75: {  	_ =	shalt  }
0x76: {  	_ =	shalt  }
0x77: {  	_ =	shalt  }
0x78: {  	_ =	shalt  }
0x79: {  	_ =	shalt  }
0x7a: {  	_ =	shalt  }
0x7b: {  	_ =	shalt  }
0x7c: {  	_ =	shalt  }
0x7d: {  	_ =	shalt  }
0x7e: {  	_ =	shalt  }
0x7f: {  	_ =	shalt  }
0x80: {  	_ =	shalt  }
0x81: {  	_ =	shalt  }
0x82: {  	_ =	shalt  }
0x83: {  	_ =	shalt  }
0x84: {  	_ =	shalt  }
0x85: {  	_ =	shalt  }
0x86: {  	_ =	shalt  }
0x87: {  	_ =	shalt  }
.Lfunc_end0:
.L_simem_size_0:
called_computation_lowered:
.L_overlay_start_0:
0x88: {  	s2 =	sld [smem:$0x3FD9]  }
0x89: {  	s3 =	sld [smem:$0x3FFE];
	_ =	sdelay $0x1  }
0x8a: {  	s1 =	srdreg.scid  }
0x8b: {  	s0 =	sand.u32 $0x1, s1  }
0x8c: {  	s16 =	sshll.u32 s0, $0xA;
	s2 =	sadd.s32 s3, s2  }
0x8d: {  	s2 =	sadd.s32 s2, s16  }
0x8e: {  	[smem:$0x3FB9] =	sst s2  }
0x8f: {  	_ = 	snop  }
0x90: {  	(tm) =	ssettm $0x1  }
0x91: {  	s17 =	sld [smem:$0x3FFB];
	_ =	sdelay $0x3  }
0x92: {  	_ =	strace s17  }
0x93: {  	s2 =	sld [smem:$0x3FFC];
	_ =	sdelay $0x3  }
0x94: {  	_ =	strace s2  }
0x95: {  	s2 =	sld [smem:$0x3FFD];
	_ =	sdelay $0x3  }
0x96: {  	_ =	strace s2  }
0x97: {  	_ =	strace $0x8FFFFFFF  }
0x98: {  	s18 =	sld [smem:$0x3FDB];
	_ =	sdelay $0x1  }
0x99: {  	s19 =	simm.s32 $_scs_section_size  }
0x9a: {  	s4 =	simm.s32 $_size__tile_overlayer_lowered;
	s5 =	simm.s32 $_tile_overlayer_lowered  }
0x9b: {  	s22 =	simm.s32 $0x1BFF;
	s21 =	sshll.u32 s5, $0x1;
	s2 =	sadd.s32 s19, s18  }
0x9c: {  	s6 =	simm.s32 $0x0;
	s20 =	sshll.u32 s4, $0x1;
	s4 =	sadd.s32 s21, s2  }
0x9d: {  	[timem:s6], [sflag:s22] =	dma.local [hbm:s4], s20  }
0x9e: {  	_ =	swait.ge [sflag:s22], s20  }
0x9f: {  	s3 =	ssub.s32 $0x0, s20;
	[sflag:s22] =	ssyncset.done $0x0  }
0xa0: {  	[sflag:s22] =	ssyncadd.s32 s3;
	_ =	sdelay $0x1  }
0xa1: {  	s23 =	simm.s32 $0x1B8B  }
0xa2: {  	_ =	swait.ge [sflag:s23], $0x1  }
0xa3: {  	[sflag:s23] =	ssyncset.done $0x0  }
0xa4: {  	s25 =	simm.s32 $0x1B8E;
	s24 =	sld [smem:$0x3FFE];
	[sflag:s23] =	ssyncadd.s32 $0xFFFFFFFF  }
0xa5: {  	s26 =	simm.s32 $execute0_lowered;
	[smem:$0x3FD2] =	sst s25  }
0xa6: {  	s4 =	sshll.u32 s26, $0x1;
	_ =	strace $0x80000049;
	[dreg:$0x1] =	wrdreg $0xFFFFFFFF  }
0xa7: {  	s28 =	simm.s32 $_size_execute0_lowered;
	s2 =	sadd.s32 s2, s4;
	[dreg:$0x0] =	wrdreg $0x0  }
0xa8: {  	s4 =	sshll.u32 s28, $0x1;
	[dreg:$0x2] =	wrdreg s2  }
0xa9: {  	[dreg:$0x3] =	wrdreg s4  }
0xaa: {  	[dreg:$0x4] =	wrdreg $0xC0  }
0xab: {  	_ =	task [dreg:s6], $0x5FFFF  }
0xac: {  	[dreg:$0x1] =	wrdreg $0xFFFFFFFF  }
0xad: {  	[dreg:$0x0] =	wrdreg $0x60  }
0xae: {  	[dreg:$0x2] =	wrdreg s24  }
0xaf: {  	[dreg:$0x3] =	wrdreg $0x134400  }
0xb0: {  	[dreg:$0x4] =	wrdreg $0x9  }
0xb1: {  	_ =	task.clear_ibuf [dreg:s6], $0x5FFFF;
	_ =	strace $0x90000049  }
0xb2: {  	s29 =	simm.s32 $0x9;
	_ =	strace $0x8000004B  }
0xb3: {  	_ =	swait.ge [sflag:s29], $0x1  }
0xb4: {  	[sflag:s29] =	ssyncadd.s32 $0xFFFFFFFF  }
0xb5: {  	_ =	strace $0x9000004B  }
0xb6: {  	_ =	sfence  }
0xb7: {  	s30 =	sld [smem:$0x0];
	_ =	sdelay $0x2  }
0xb8: {  	s31 =	sshll.u32 s1, $0xD;
	s1 =	sshrl.u32 s1, $0x2  }
0xb9: {  	s3 =	sand.u32 $0x4000, s31;
	s1 =	sadd.s32 s1, s30  }
0xba: {  	s0 =	sor.u32 s3, s0;
	s1 =	sshll.u32 s1, $0x11  }
0xbb: {  	s0 =	sor.u32 s1, s0  }
0xbc: {  	s0 =	sadd.s32 $0x8F2B, s0  }
0xbd: {  	[sflag:s0] =	ssyncadd.remote.s32 $0x1  }
0xbe: {  	_ =	sfence.sel $0xFFFF  }
0xbf: {  	[dreg:$0x0] =	wrdreg $0xFFFFFFFF;
	(pc) =	sbr.abs _section_cstart, $3  }
0xc0: {  	[dreg:$0x1] =	wrdreg $0xFFFFFFFF  }
0xc1: {  	_ =	task.clear_ibuf [dreg:s6], $0x2FFFF;
	_ =	strace $0x9FFFFFFF  }
0xc2: {  	(tm) =	ssettm $0x7FFFFFFF  }
0xc3: {  	_ =	shalt  }
tec
execute0_lowered:
.L_overlay_start_1:
0x0: {  	(tag) =	ssettag $0x1  }
0x1: {  	s0 =	rddreg [dreg:$0x0]  }
0x2: {  	s1 =	rddreg [dreg:$0x1];
	s2 =	srdreg.scid  }
0x3: {  	s14 =	stileid.u32;
	s15 =	simm.s32 $0x6;
	s17 =	simm.s32 $0x50  }
0x4: {  	s18 =	simm.s32 $0x9C40;
	s19 =	simm.s32 $0xB040;
	s21 =	simm.s32 $0xC440  }
0x5: {  	s23 =	simm.s32 $0xD840;
	s28 =	simm.s32 $0x2;
	s29 =	simm.s32 $0x3  }
0x6: {  	s30 =	simm.s32 $0x4;
	s31 =	simm.s32 $0x5;
	s4 =	smul.u32 $0x9C4, s14  }
0x7: {  	s20 =	simm.s32 $0x9B50;
	s22 =	simm.s32 $0x9BF0;
	s5 =	smul.u32 $0x27000, s14  }
0x8: {  	s3 =	sand.u32 $0x1, s2;
	s2 =	simm.s32 $0x0;
	s13 =	smul.u32 $0x9C00, s14  }
0x9: {  	s7 =	sadd.s32 $0x9C000, s1;
	p0 =	sne.s32 s14, $0x0;
	s14 =	simm.s32 $0x10040  }
0xa: {  	s9 =	smul.u32 $0x9C400, s3;
	[smem:$0x7FF] =	sst s2;
	s3 =	ssub.s32 $0x2, s3  }
0xb: {  	_ =	strace $0x8000004A;
	s12 =	sadd.s32 s4, s0;
	s24 =	sshrl.u32 s3, $0x1  }
0xc: {  	s5 =	sshrl.u32 s5, $0x2;
	s4 =	sadd.s32 s13, s1;
	s10 =	sshrl.u32 s9, $0x3  }
0xd: {  	s3 =	ssub.s32 s3, s24;
	s6 =	sadd.s32 s5, s1;
	s8 =	sadd.s32 $0x7E800, s12  }
0xe: {  	s13 =	sadd.s32 s13, s9;
	s9 =	sadd.s32 $0x3C00, s12;
	s11 =	sadd.s32 s10, s0  }
0xf: {  	s0 =	sadd.s32 $0xAF800, s0;
	s5 =	sadd.s32 $0x3400, s6;
	s6 =	sadd.s32 $0x6800, s6  }
0x10: {  	s25 =	sshrl.u32 s13, $0x3;
	s13 =	smax.u32 s3, $0x1;
	s3 =	simm.s32 $0x9BA0  }
0x11: {  	s26 =	sadd.s32 s0, s10;
	s10 =	sadd.s32 $0x88600, s11;
	s11 =	sadd.s32 s0, s25  }
0x12: {  	v0 =	vimm.f32 $0.0e+00;
	s25 =	simm.s32 $0xEC40;
	s12 =	sadd.s32 $0x13800, s26;
	s26 =	simm.s32 $0x1  }
.LBB2_1:
0x13: {  	s24 =	simm.s32 $0x100;
	s0 =	simm.s32 $0x0  }
.LBB2_2:
0x14: {  	p1 =	sne.s32 s24, $0xCF00;
	[tilespmem:s0+$0x10070] =	vst v0;
	s16 =	smov.u32 s24;
	s24 =	sadd.s32 $0x100, s24  }
.Ltmp0:
0x15: {  	[tilespmem:s0+$0x10060] =	vst v0;
	(pc) =	sbr.rel @p1 .LBB2_2-.Ltmp0, $3  }
0x16: {  	[tilespmem:s0+$0x10040] =	vst v0  }
0x17: {  	[tilespmem:s0+$0x10050] =	vst v0;
	_ =	sdelay $0x1  }
0x18: {  	s0 =	sshra.s32 s16, $0x2  }
0x19: {  	[tilespmem:s0+$0x10070] =	vst v0  }
0x1a: {  	[tilespmem:s0+$0x10060] =	vst v0  }
0x1b: {  	[tilespmem:s0+$0x10040] =	vst v0  }
0x1c: {  	[tilespmem:s0+$0x10050] =	vst v0  }
0x1d: {  	[spmem:s4] =	stream.linear.scatter [tilespmem:s14], [sflag:$0x6], $0x3400, $0x38;
	[tilespmem:$0x1D080] =	vst v63  }
0x1e: {  	_ =	swait.ge [sflag:s15], $0x3400  }
0x1f: {  	[sflag:s15] =	ssyncset.done $0x0  }
0x20: {  	[sflag:s15] =	ssyncadd.s32 $0xFFFFCC00  }
0x21: {  	[spmem:s5] =	stream.linear.scatter [tilespmem:s14], [sflag:$0x6], $0x3400, $0x38;
	[tilespmem:$0x1D080] =	vst v63  }
0x22: {  	_ =	swait.ge [sflag:s15], $0x3400  }
0x23: {  	[sflag:s15] =	ssyncset.done $0x0  }
0x24: {  	[sflag:s15] =	ssyncadd.s32 $0xFFFFCC00  }
0x25: {  	[spmem:s6] =	stream.linear.scatter [tilespmem:s14], [sflag:$0x6], $0x3400, $0x38;
	[tilespmem:$0x1D080] =	vst v63  }
0x26: {  	_ =	swait.ge [sflag:s15], $0x3400  }
0x27: {  	[sflag:s15] =	ssyncset.done $0x0  }
0x28: {  	s0 =	simm.s32 @!p0 $0x10040;
	[sflag:s15] =	ssyncadd.s32 $0xFFFFCC00  }
0x29: {  	[spmem:s7] =	stream.linear.scatter @!p0 [tilespmem:s0], [sflag:$0x6], $0x400, $0x38;
	[tilespmem:$0x1D080] =	vst v63  }
0x2a: {  	s0 =	simm.s32 @!p0 $0x6  }
0x2b: {  	_ =	swait.ge @!p0 [sflag:s0], $0x400  }
0x2c: {  	[sflag:s0] =	ssyncset.done @!p0 $0x0  }
0x2d: {  	s24 =	simm.s32 $0x0;
	[sflag:s0] =	ssyncadd.s32 @!p0 $0xFFFFFC00  }
0x2e: {  	[tilespmem:s24], [sflag:$0x6] =	stream.linear.gather [hbm4b:s8+s24], $0x4E20, $0x38;
	[tilespmem:$0x1D080] =	vst v63  }
0x2f: {  	_ =	swait.ge [sflag:s15], $0x4E20  }
0x30: {  	[sflag:s15] =	ssyncset.done $0x0  }
0x31: {  	s16 =	simm.s32 $0x4E20;
	[sflag:s15] =	ssyncadd.s32 $0xFFFFB1E0  }
0x32: {  	[tilespmem:s16], [sflag:$0x6] =	stream.linear.gather [hbm4b:s9+s24], $0x4E20, $0x38;
	[tilespmem:$0x1D080] =	vst v63  }
0x33: {  	_ =	swait.ge [sflag:s15], $0x4E20  }
0x34: {  	[sflag:s15] =	ssyncset.done $0x0  }
0x35: {  	[sflag:s15] =	ssyncadd.s32 $0xFFFFB1E0  }
0x36: {  	[bflag:$0x0] =	sbarrier.arrive $0xFFFF  }
0x37: {  	[tilespmem:s18], [sflag:$0x1] =	stream.indirect.gather [hbm4b:s10+s17], $0x40, s24, s17, $0xb8;
	[tilespmem:$0x1D080] =	vst v63  }
0x38: {  	_ = 	snop  }
0x39: {  	[tilespmem:s19], [sflag:$0x2] =	stream.indirect.gather [hbm4b:s10+s17], $0x40, s17, s17, $0xb8;
	[tilespmem:$0x1D080] =	vst v63  }
0x3a: {  	s16 =	simm.s32 $0xA0  }
0x3b: {  	[tilespmem:s21], [sflag:$0x3] =	stream.indirect.gather [hbm4b:s10+s17], $0x40, s16, s17, $0xb8;
	[tilespmem:$0x1D080] =	vst v63  }
0x3c: {  	s24 =	simm.s32 $0xF0  }
0x3d: {  	[tilespmem:s23], [sflag:$0x4] =	stream.indirect.gather [hbm4b:s10+s17], $0x40, s24, s17, $0xb8;
	[tilespmem:$0x1D080] =	vst v63  }
0x3e: {  	s16 =	simm.s32 $0x140  }
0x3f: {  	[tilespmem:s25], [sflag:$0x5] =	stream.indirect.gather [hbm4b:s10+s17], $0x40, s16, s17, $0xb8;
	[tilespmem:$0x1D080] =	vst v63  }
0x40: {  	_ =	swait.ge [sflag:s26], $0x1400  }
0x41: {  	[sflag:s26] =	ssyncset.done $0x0  }
0x42: {  	s24 =	simm.s32 $0x4E20;
	[sflag:s26] =	ssyncadd.s32 $0xFFFFEC00  }
0x43: {  	[spmem:s1] =	stream.indirect.scatter.add.f32 [tilespmem:s18], [sflag:$0x6], $0x40, s24, s17, $0xb8;
	[tilespmem:$0x1D080] =	vst v63  }
0x44: {  	_ =	swait.ge [sflag:s15], $0x1400  }
0x45: {  	[sflag:s15] =	ssyncset.done $0x0  }
0x46: {  	s16 =	simm.s32 $0x190;
	[sflag:s15] =	ssyncadd.s32 $0xFFFFEC00  }
0x47: {  	[tilespmem:s18], [sflag:$0x1] =	stream.indirect.gather [hbm4b:s10+s17], $0x40, s16, s17, $0xb8;
	[tilespmem:$0x1D080] =	vst v63  }
0x48: {  	_ =	swait.ge [sflag:s28], $0x1400  }
0x49: {  	[sflag:s28] =	ssyncset.done $0x0  }
0x4a: {  	s24 =	simm.s32 $0x4E70;
	[sflag:s28] =	ssyncadd.s32 $0xFFFFEC00  }
0x4b: {  	[spmem:s1] =	stream.indirect.scatter.add.f32 [tilespmem:s19], [sflag:$0x6], $0x40, s24, s17, $0xb8;
	[tilespmem:$0x1D080] =	vst v63  }
0x4c: {  	_ =	swait.ge [sflag:s15], $0x1400  }
0x4d: {  	[sflag:s15] =	ssyncset.done $0x0  }
0x4e: {  	s16 =	simm.s32 $0x1E0;
	[sflag:s15] =	ssyncadd.s32 $0xFFFFEC00  }
0x4f: {  	[tilespmem:s19], [sflag:$0x2] =	stream.indirect.gather [hbm4b:s10+s17], $0x40, s16, s17, $0xb8;
	[tilespmem:$0x1D080] =	vst v63  }
0x50: {  	_ =	swait.ge [sflag:s29], $0x1400  }
0x51: {  	[sflag:s29] =	ssyncset.done $0x0  }
0x52: {  	s24 =	simm.s32 $0x4EC0;
	[sflag:s29] =	ssyncadd.s32 $0xFFFFEC00  }
0x53: {  	[spmem:s1] =	stream.indirect.scatter.add.f32 [tilespmem:s21], [sflag:$0x6], $0x40, s24, s17, $0xb8;
	[tilespmem:$0x1D080] =	vst v63  }
0x54: {  	_ =	swait.ge [sflag:s15], $0x1400  }
0x55: {  	[sflag:s15] =	ssyncset.done $0x0  }
0x56: {  	s16 =	simm.s32 $0x230;
	[sflag:s15] =	ssyncadd.s32 $0xFFFFEC00  }
0x57: {  	[tilespmem:s21], [sflag:$0x3] =	stream.indirect.gather [hbm4b:s10+s17], $0x40, s16, s17, $0xb8;
	[tilespmem:$0x1D080] =	vst v63  }
0x58: {  	_ =	swait.ge [sflag:s30], $0x1400  }
0x59: {  	[sflag:s30] =	ssyncset.done $0x0  }
0x5a: {  	s24 =	simm.s32 $0x4F10;
	[sflag:s30] =	ssyncadd.s32 $0xFFFFEC00  }
0x5b: {  	[spmem:s1] =	stream.indirect.scatter.add.f32 [tilespmem:s23], [sflag:$0x6], $0x40, s24, s17, $0xb8;
	[tilespmem:$0x1D080] =	vst v63  }
0x5c: {  	_ =	swait.ge [sflag:s15], $0x1400  }
0x5d: {  	[sflag:s15] =	ssyncset.done $0x0  }
0x5e: {  	s16 =	simm.s32 $0x280;
	[sflag:s15] =	ssyncadd.s32 $0xFFFFEC00  }
0x5f: {  	[tilespmem:s23], [sflag:$0x4] =	stream.indirect.gather [hbm4b:s10+s17], $0x40, s16, s17, $0xb8;
	[tilespmem:$0x1D080] =	vst v63  }
0x60: {  	_ =	swait.ge [sflag:s31], $0x1400  }
0x61: {  	[sflag:s31] =	ssyncset.done $0x0  }
0x62: {  	s24 =	simm.s32 $0x4F60;
	[sflag:s31] =	ssyncadd.s32 $0xFFFFEC00  }
0x63: {  	[spmem:s1] =	stream.indirect.scatter.add.f32 [tilespmem:s25], [sflag:$0x6], $0x40, s24, s17, $0xb8;
	[tilespmem:$0x1D080] =	vst v63  }
0x64: {  	_ =	swait.ge [sflag:s15], $0x1400  }
0x65: {  	[sflag:s15] =	ssyncset.done $0x0  }
0x66: {  	s0 =	simm.s32 $0x2D0;
	s24 =	simm.s32 $0x640;
	[sflag:s15] =	ssyncadd.s32 $0xFFFFEC00  }
.LBB2_4:
0x67: {  	[tilespmem:s25], [sflag:$0x5] =	stream.indirect.gather [hbm4b:s10+s17], $0x40, s0, s17, $0xb8;
	[tilespmem:$0x1D080] =	vst v63  }
0x68: {  	s0 =	smov.u32 s24  }
0x69: {  	p1 =	sne.s32 s24, $0x12C00;
	s24 =	sadd.s32 $0x640, s24;
	_ =	swait.ge [sflag:s26], $0x1400  }
0x6a: {  	s0 =	sshra.s32 s0, $0x2;
	[sflag:s26] =	ssyncset.done $0x0  }
0x6b: {  	s16 =	sadd.s32 $0x4E20, s0;
	[sflag:s26] =	ssyncadd.s32 $0xFFFFEC00  }
0x6c: {  	[spmem:s1] =	stream.indirect.scatter.add.f32 [tilespmem:s18], [sflag:$0x6], $0x40, s16, s17, $0xb8;
	[tilespmem:$0x1D080] =	vst v63  }
0x6d: {  	_ =	swait.ge [sflag:s15], $0x1400  }
0x6e: {  	[sflag:s15] =	ssyncset.done $0x0  }
0x6f: {  	s16 =	sadd.s32 $0x190, s0;
	[sflag:s15] =	ssyncadd.s32 $0xFFFFEC00  }
0x70: {  	[tilespmem:s18], [sflag:$0x1] =	stream.indirect.gather [hbm4b:s10+s17], $0x40, s16, s17, $0xb8;
	[tilespmem:$0x1D080] =	vst v63  }
0x71: {  	_ =	swait.ge [sflag:s28], $0x1400  }
0x72: {  	[sflag:s28] =	ssyncset.done $0x0  }
0x73: {  	s16 =	sadd.s32 $0x4E70, s0;
	[sflag:s28] =	ssyncadd.s32 $0xFFFFEC00  }
0x74: {  	[spmem:s1] =	stream.indirect.scatter.add.f32 [tilespmem:s19], [sflag:$0x6], $0x40, s16, s17, $0xb8;
	[tilespmem:$0x1D080] =	vst v63  }
0x75: {  	_ =	swait.ge [sflag:s15], $0x1400  }
0x76: {  	[sflag:s15] =	ssyncset.done $0x0  }
0x77: {  	s16 =	sadd.s32 $0x1E0, s0;
	[sflag:s15] =	ssyncadd.s32 $0xFFFFEC00  }
0x78: {  	[tilespmem:s19], [sflag:$0x2] =	stream.indirect.gather [hbm4b:s10+s17], $0x40, s16, s17, $0xb8;
	[tilespmem:$0x1D080] =	vst v63  }
0x79: {  	_ =	swait.ge [sflag:s29], $0x1400  }
0x7a: {  	[sflag:s29] =	ssyncset.done $0x0  }
0x7b: {  	s16 =	sadd.s32 $0x4EC0, s0;
	[sflag:s29] =	ssyncadd.s32 $0xFFFFEC00  }
0x7c: {  	[spmem:s1] =	stream.indirect.scatter.add.f32 [tilespmem:s21], [sflag:$0x6], $0x40, s16, s17, $0xb8;
	[tilespmem:$0x1D080] =	vst v63  }
0x7d: {  	_ =	swait.ge [sflag:s15], $0x1400  }
0x7e: {  	[sflag:s15] =	ssyncset.done $0x0  }
0x7f: {  	s16 =	sadd.s32 $0x230, s0;
	[sflag:s15] =	ssyncadd.s32 $0xFFFFEC00  }
0x80: {  	[tilespmem:s21], [sflag:$0x3] =	stream.indirect.gather [hbm4b:s10+s17], $0x40, s16, s17, $0xb8;
	[tilespmem:$0x1D080] =	vst v63  }
0x81: {  	_ =	swait.ge [sflag:s30], $0x1400  }
0x82: {  	[sflag:s30] =	ssyncset.done $0x0  }
0x83: {  	s16 =	sadd.s32 $0x4F10, s0;
	[sflag:s30] =	ssyncadd.s32 $0xFFFFEC00  }
0x84: {  	[spmem:s1] =	stream.indirect.scatter.add.f32 [tilespmem:s23], [sflag:$0x6], $0x40, s16, s17, $0xb8;
	[tilespmem:$0x1D080] =	vst v63  }
0x85: {  	_ =	swait.ge [sflag:s15], $0x1400  }
0x86: {  	[sflag:s15] =	ssyncset.done $0x0  }
0x87: {  	s16 =	sadd.s32 $0x280, s0;
	[sflag:s15] =	ssyncadd.s32 $0xFFFFEC00  }
0x88: {  	[tilespmem:s23], [sflag:$0x4] =	stream.indirect.gather [hbm4b:s10+s17], $0x40, s16, s17, $0xb8;
	[tilespmem:$0x1D080] =	vst v63  }
0x89: {  	_ =	swait.ge [sflag:s31], $0x1400  }
0x8a: {  	[sflag:s31] =	ssyncset.done $0x0  }
.Ltmp1:
0x8b: {  	s16 =	sadd.s32 $0x4F60, s0;
	[sflag:s31] =	ssyncadd.s32 $0xFFFFEC00;
	(pc) =	sbr.rel @p1 .LBB2_4-.Ltmp1, $4  }
0x8c: {  	[spmem:s1] =	stream.indirect.scatter.add.f32 [tilespmem:s25], [sflag:$0x6], $0x40, s16, s17, $0xb8;
	[tilespmem:$0x1D080] =	vst v63  }
0x8d: {  	_ =	swait.ge [sflag:s15], $0x1400  }
0x8e: {  	[sflag:s15] =	ssyncset.done $0x0  }
0x8f: {  	s0 =	sadd.s32 $0x2D0, s0;
	[sflag:s15] =	ssyncadd.s32 $0xFFFFEC00  }
0x90: {  	[tilespmem:s25], [sflag:$0x5] =	stream.indirect.gather [hbm4b:s10+s17], $0x40, s0, s17, $0xb8;
	[tilespmem:$0x1D080] =	vst v63  }
0x91: {  	_ =	swait.ge [sflag:s26], $0x1400  }
0x92: {  	[sflag:s26] =	ssyncset.done $0x0  }
0x93: {  	s24 =	simm.s32 $0x9AB0;
	[sflag:s26] =	ssyncadd.s32 $0xFFFFEC00  }
0x94: {  	[spmem:s1] =	stream.indirect.scatter.add.f32 [tilespmem:s18], [sflag:$0x6], $0x40, s24, s17, $0xb8;
	[tilespmem:$0x1D080] =	vst v63  }
0x95: {  	_ =	swait.ge [sflag:s15], $0x1400  }
0x96: {  	[sflag:s15] =	ssyncset.done $0x0  }
0x97: {  	[sflag:s15] =	ssyncadd.s32 $0xFFFFEC00  }
0x98: {  	_ =	swait.ge [sflag:s28], $0x1400  }
0x99: {  	[sflag:s28] =	ssyncset.done $0x0  }
0x9a: {  	s16 =	simm.s32 $0x9B00;
	[sflag:s28] =	ssyncadd.s32 $0xFFFFEC00  }
0x9b: {  	[spmem:s1] =	stream.indirect.scatter.add.f32 [tilespmem:s19], [sflag:$0x6], $0x40, s16, s17, $0xb8;
	[tilespmem:$0x1D080] =	vst v63  }
0x9c: {  	_ =	swait.ge [sflag:s15], $0x1400  }
0x9d: {  	[sflag:s15] =	ssyncset.done $0x0  }
0x9e: {  	[sflag:s15] =	ssyncadd.s32 $0xFFFFEC00  }
0x9f: {  	_ =	swait.ge [sflag:s29], $0x1400  }
0xa0: {  	[sflag:s29] =	ssyncset.done $0x0  }
0xa1: {  	[sflag:s29] =	ssyncadd.s32 $0xFFFFEC00  }
0xa2: {  	[spmem:s1] =	stream.indirect.scatter.add.f32 [tilespmem:s21], [sflag:$0x6], $0x40, s20, s17, $0xb8;
	[tilespmem:$0x1D080] =	vst v63  }
0xa3: {  	_ =	swait.ge [sflag:s15], $0x1400  }
0xa4: {  	[sflag:s15] =	ssyncset.done $0x0  }
0xa5: {  	[sflag:s15] =	ssyncadd.s32 $0xFFFFEC00  }
0xa6: {  	_ =	swait.ge [sflag:s30], $0x1400  }
0xa7: {  	[sflag:s30] =	ssyncset.done $0x0  }
0xa8: {  	[sflag:s30] =	ssyncadd.s32 $0xFFFFEC00  }
0xa9: {  	[spmem:s1] =	stream.indirect.scatter.add.f32 [tilespmem:s23], [sflag:$0x6], $0x40, s3, s17, $0xb8;
	[tilespmem:$0x1D080] =	vst v63  }
0xaa: {  	_ =	swait.ge [sflag:s15], $0x1400  }
0xab: {  	[sflag:s15] =	ssyncset.done $0x0  }
0xac: {  	[sflag:s15] =	ssyncadd.s32 $0xFFFFEC00  }
0xad: {  	_ =	swait.ge [sflag:s31], $0x1400  }
0xae: {  	[sflag:s31] =	ssyncset.done $0x0  }
0xaf: {  	[sflag:s31] =	ssyncadd.s32 $0xFFFFEC00  }
0xb0: {  	[spmem:s1] =	stream.indirect.scatter.add.f32 [tilespmem:s25], [sflag:$0x6], $0x40, s22, s17, $0xb8;
	[tilespmem:$0x1D080] =	vst v63  }
0xb1: {  	_ =	swait.ge [sflag:s15], $0x1400  }
0xb2: {  	s24 =	stileid.u32;
	[sflag:s15] =	ssyncset.done $0x0  }
0xb3: {  	s0 =	sshll.u32 s24, $0x6;
	[sflag:s15] =	ssyncadd.s32 $0xFFFFEC00  }
0xb4: {  	s0 =	sor.u32 $0x1C06, s0;
	s16 =	sshrl.u32 s4, $0x3;
	[bflag:$0x0] =	sbarrier.arrive $0xFFFF  }
0xb5: {  	[hbm:s11], [sflag:s0] =	dma.local [spmem:s16], $0x1380  }
0xb6: {  	_ =	swait.ge [sflag:s15], $0x1380  }
0xb7: {  	s2 =	sadd.s32 $0x1, s2;
	[sflag:s15] =	ssyncset.done $0x0  }
0xb8: {  	p1 =	sne.s32 s2, s13;
	s16 =	sshrl.u32 @!p0 s7, $0x3;
	[sflag:s15] =	ssyncadd.s32 $0xFFFFEC80  }
0xb9: {  	[hbm:s12], [sflag:s0] =	dma.local @!p0 [spmem:s16], $0x80  }
.Ltmp2:
0xba: {  	_ = 	snop;
	(pc) =	sbr.rel @p1 .LBB2_1-.Ltmp2, $4  }
0xbb: {  	s0 =	simm.s32 @!p0 $0x6  }
0xbc: {  	_ =	swait.ge @!p0 [sflag:s0], $0x80  }
0xbd: {  	[sflag:s0] =	ssyncset.done @!p0 $0x0  }
0xbe: {  	[sflag:s0] =	ssyncadd.s32 @!p0 $0xFFFFFF80  }
0xbf: {  	_ =	sfence.sel $0x180000  }
0xc0: {  	[bflag:$0x0] =	sbarrier.arrive $0xFFFF  }
0xc1: {  	_ =	strace $0x9000004A  }
0xc2: {  	[bflag:$0x2] =	sbarrier.arrive $0xFFFF  }
0xc3: {  	s0 =	rddreg [dreg:$0x2]  }
0xc4: {  	s0 =	sadd.s32 @!p0 $0x100000, s0  }
0xc5: {  	[sflag:s0] =	ssyncadd.tile.s32 @!p0 $0x1;
	_ =	shalt  }
.Lfunc_end2:
_tile_overlayer_lowered:
.L_overlay_start_2:
0xc6: {  	(tag) =	ssettag $0x2  }
0xc7: {  	s0 =	rddreg [dreg:$0x0];
	s2 =	stileid.u32  }
0xc8: {  	s1 =	rddreg [dreg:$0x1];
	p0 =	sne.s32 s2, $0x0  }
0xc9: {  	s3 =	rddreg [dreg:$0x2];
	[bflag:$0x3] =	sbarrier.arrive $0xFFFF;
	s2 =	simm.s32 @!p0 $0x1C06  }
0xca: {  	[timem:s3], [sflag:s2] =	dma.local @!p0 [hbm:s0], s1  }
0xcb: {  	s0 =	simm.s32 @!p0 $0x6  }
0xcc: {  	_ =	swait.ge @!p0 [sflag:s0], s1  }
0xcd: {  	s1 =	ssub.s32 @!p0 $0x0, s1;
	[sflag:s0] =	ssyncset.done @!p0 $0x0  }
0xce: {  	[sflag:s0] =	ssyncadd.s32 @!p0 s1  }
0xcf: {  	[bflag:$0x3] =	sbarrier.arrive $0xFFFF  }
0xd0: {  	_ =	shalt  }

// kernel: kernel.5.cloned.1.call-start
scs
__scs_entry_jumppad:
0x0: {  	(pc) =	sbr.rel $0x88, $3  }
0x1: {  	(tag) =	ssettag $0x0;
	lr =	simm.s32 $0x1  }
0x2: {  	[smem:$0x3F92] =	sst lr;
	_ =	strace $0xD0000000  }
0x3: {  	_ = 	snop  }
0x4: {  	_ = 	snop  }
0x5: {  	_ = 	snop  }
0x6: {  	_ = 	snop  }
0x7: {  	_ = 	snop  }
__scs_overlays_trampoline_lowered:
0x8: {  	[smem:$0x3FA1] =	sst s0  }
0x9: {  	[smem:$0x3FA2] =	sst s1  }
0xa: {  	[smem:$0x3FA3] =	sst s2  }
0xb: {  	[smem:$0x3FA4] =	sst s3  }
0xc: {  	[smem:$0x3FA5] =	sst s4  }
0xd: {  	[smem:$0x3FA6] =	sst s5  }
0xe: {  	[smem:$0x3FA7] =	sst s6  }
0xf: {  	[smem:$0x3FA8] =	sst s7  }
0x10: {  	[smem:$0x3FA9] =	sst s8  }
0x11: {  	[smem:$0x3FAA] =	sst s9;
	s0 =	simm.s32 @!p0 $0x0  }
0x12: {  	s1 =	sld [smem:$0x3F90];
	s0 =	simm.s32 @p0 $0x1  }
0x13: {  	[smem:$0x3FAB] =	sst s0;
	s0 =	simm.s32 @!p1 $0x0  }
0x14: {  	s2 =	sld [smem:$0x3F8F];
	s0 =	simm.s32 @p1 $0x1  }
0x15: {  	[smem:$0x3FAC] =	sst s0;
	s0 =	simm.s32 @!p2 $0x0  }
0x16: {  	s3 =	sld [smem:$0x3FDB];
	s0 =	simm.s32 @p2 $0x1  }
0x17: {  	s4 =	simm.s32 $0x1BF5;
	[smem:$0x3FAE] =	sst s0  }
0x18: {  	s0 =	sld [smem:$0x3F91];
	_ =	swait.ge [sflag:s4], $0x0  }
0x19: {  	s7 =	sld [smem:$0x3F92]  }
0x1a: {  	s8 =	sadd.s32 $0xFFFFE003, lr  }
0x1b: {  	s9 =	sadd.s32 $0xFFFFFEF7, lr;
	s5 =	simm.s32 $0xFFFFFFFF;
	p2 =	slt.u32 s8, $0xFFFFF086  }
0x1c: {  	p1 =	slt.u32 s9, $0xF7A;
	s5 =	simm.s32 @!p2 $0x0  }
0x1d: {  	s5 =	simm.s32 @p1 $0x1;
	p0 =	seq.s32 s7, s2  }
0x1e: {  	s7 =	smul.u32 @!p0 $0xF7A, s2;
	p2 =	seq.s32 @!p0 s5, $0x0  }
0x1f: {  	s9 =	smul.u32 $0xF7A, s1;
	s8 =	simm.s32 @!p0 $0x1BF5;
	p2 =	por !p2, p0  }
0x20: {  	[sflag:s8] =	ssyncset.s32 @!p0 $0xFFFFF086;
	s6 =	sadd.s32 @!p0 s3, s7;
	s7 =	simm.s32 @!p0 $0x108  }
0x21: {  	s3 =	sadd.s32 s3, s9;
	s6 =	sadd.s32 @!p0 $0x88, s6;
	s7 =	simm.s32 @p2 $0x1082  }
0x22: {  	[simem:s7], [sflag:s8] =	dma.local @!p0 [hbm:s6], $0xF7A  }
0x23: {  	s9 =	sor.u32 $0xD0000000, s2;
	s6 =	simm.s32 $0x108;
	_ =	swait.ge @!p0 [sflag:s8], $0x0  }
0x24: {  	s3 =	sadd.s32 $0x88, s3;
	s6 =	simm.s32 @!p1 $0x1082;
	[sflag:s4] =	ssyncset.s32 $0xFFFFF086  }
0x25: {  	[simem:s6], [sflag:s4] =	dma.local [hbm:s3], $0xF7A  }
0x26: {  	[smem:$0x3F92] =	sst s1;
	(tag) =	ssettag s2;
	_ =	strace s9  }
0x27: {  	s1 =	sld [smem:$0x3FA2]  }
0x28: {  	s2 =	sld [smem:$0x3FA3]  }
0x29: {  	s4 =	sld [smem:$0x3FA5]  }
0x2a: {  	p0 =	seq.s32 s5, $0x0;
	s5 =	sld [smem:$0x3FA6]  }
0x2b: {  	s6 =	sld [smem:$0x3FA7]  }
0x2c: {  	s7 =	sld [smem:$0x3FA8]  }
0x2d: {  	s3 =	simm.s32 $0x108;
	s8 =	sld [smem:$0x3FA9]  }
0x2e: {  	s3 =	simm.s32 @!p0 $0x1082;
	s9 =	sld [smem:$0x3FAA]  }
0x2f: {  	lr =	sadd.s32 s0, s3;
	s0 =	sld [smem:$0x3FA1]  }
0x30: {  	s3 =	sld [smem:$0x3FA4]  }
0x31: {  	[smem:$0x3FAD] =	sst s10  }
0x32: {  	s10 =	sld [smem:$0x3FAB];
	_ =	sdelay $0x3  }
0x33: {  	p0 =	seq.s32 s10, $0x1;
	s10 =	sld [smem:$0x3FAD];
	_ =	sdelay $0x3  }
0x34: {  	[smem:$0x3FAD] =	sst s10  }
0x35: {  	s10 =	sld [smem:$0x3FAC];
	_ =	sdelay $0x3  }
0x36: {  	p1 =	seq.s32 s10, $0x1;
	s10 =	sld [smem:$0x3FAD];
	_ =	sdelay $0x3  }
0x37: {  	[smem:$0x3FAD] =	sst s10  }
0x38: {  	s10 =	sld [smem:$0x3FAE]  }
0x39: {  	_ = 	snop;
	(pc) =	sbr.ind lr, $3  }
0x3a: {  	_ = 	snop  }
0x3b: {  	_ = 	snop  }
0x3c: {  	p2 =	seq.s32 s10, $0x1;
	s10 =	sld [smem:$0x3FAD]  }
0x3d: {  	_ =	shalt  }
0x3e: {  	_ =	shalt  }
0x3f: {  	_ =	shalt  }
0x40: {  	_ =	shalt  }
0x41: {  	_ =	shalt  }
0x42: {  	_ =	shalt  }
0x43: {  	_ =	shalt  }
0x44: {  	_ =	shalt  }
0x45: {  	_ =	shalt  }
0x46: {  	_ =	shalt  }
0x47: {  	_ =	shalt  }
0x48: {  	_ =	shalt  }
0x49: {  	_ =	shalt  }
0x4a: {  	_ =	shalt  }
0x4b: {  	_ =	shalt  }
0x4c: {  	_ =	shalt  }
0x4d: {  	_ =	shalt  }
0x4e: {  	_ =	shalt  }
0x4f: {  	_ =	shalt  }
0x50: {  	_ =	shalt  }
0x51: {  	_ =	shalt  }
0x52: {  	_ =	shalt  }
0x53: {  	_ =	shalt  }
0x54: {  	_ =	shalt  }
0x55: {  	_ =	shalt  }
0x56: {  	_ =	shalt  }
0x57: {  	_ =	shalt  }
0x58: {  	_ =	shalt  }
0x59: {  	_ =	shalt  }
0x5a: {  	_ =	shalt  }
0x5b: {  	_ =	shalt  }
0x5c: {  	_ =	shalt  }
0x5d: {  	_ =	shalt  }
0x5e: {  	_ =	shalt  }
0x5f: {  	_ =	shalt  }
0x60: {  	_ =	shalt  }
0x61: {  	_ =	shalt  }
0x62: {  	_ =	shalt  }
0x63: {  	_ =	shalt  }
0x64: {  	_ =	shalt  }
0x65: {  	_ =	shalt  }
0x66: {  	_ =	shalt  }
0x67: {  	_ =	shalt  }
0x68: {  	_ =	shalt  }
0x69: {  	_ =	shalt  }
0x6a: {  	_ =	shalt  }
0x6b: {  	_ =	shalt  }
0x6c: {  	_ =	shalt  }
0x6d: {  	_ =	shalt  }
0x6e: {  	_ =	shalt  }
0x6f: {  	_ =	shalt  }
0x70: {  	_ =	shalt  }
0x71: {  	_ =	shalt  }
0x72: {  	_ =	shalt  }
0x73: {  	_ =	shalt  }
0x74: {  	_ =	shalt  }
0x75: {  	_ =	shalt  }
0x76: {  	_ =	shalt  }
0x77: {  	_ =	shalt  }
0x78: {  	_ =	shalt  }
0x79: {  	_ =	shalt  }
0x7a: {  	_ =	shalt  }
0x7b: {  	_ =	shalt  }
0x7c: {  	_ =	shalt  }
0x7d: {  	_ =	shalt  }
0x7e: {  	_ =	shalt  }
0x7f: {  	_ =	shalt  }
0x80: {  	_ =	shalt  }
0x81: {  	_ =	shalt  }
0x82: {  	_ =	shalt  }
0x83: {  	_ =	shalt  }
0x84: {  	_ =	shalt  }
0x85: {  	_ =	shalt  }
0x86: {  	_ =	shalt  }
0x87: {  	_ =	shalt  }
.Lfunc_end0:
.L_simem_size_0:
called_computation.1_lowered:
.L_overlay_start_0:
0x88: {  	s2 =	sld [smem:$0x3FD9]  }
0x89: {  	s3 =	sld [smem:$0x3FFE];
	_ =	sdelay $0x1  }
0x8a: {  	s1 =	srdreg.scid  }
0x8b: {  	s0 =	sand.u32 $0x1, s1  }
0x8c: {  	s16 =	sshll.u32 s0, $0xA;
	s2 =	sadd.s32 s3, s2  }
0x8d: {  	s2 =	sadd.s32 s2, s16  }
0x8e: {  	[smem:$0x3FB9] =	sst s2  }
0x8f: {  	_ = 	snop  }
0x90: {  	(tm) =	ssettm $0x1  }
0x91: {  	s17 =	sld [smem:$0x3FFB];
	_ =	sdelay $0x3  }
0x92: {  	_ =	strace s17  }
0x93: {  	s2 =	sld [smem:$0x3FFC];
	_ =	sdelay $0x3  }
0x94: {  	_ =	strace s2  }
0x95: {  	s2 =	sld [smem:$0x3FFD];
	_ =	sdelay $0x3  }
0x96: {  	_ =	strace s2  }
0x97: {  	_ =	strace $0x8FFFFFFF  }
0x98: {  	s18 =	sld [smem:$0x3FDB];
	_ =	sdelay $0x1  }
0x99: {  	s19 =	simm.s32 $_scs_section_size  }
0x9a: {  	s4 =	simm.s32 $_size__tile_overlayer_lowered;
	s5 =	simm.s32 $_tile_overlayer_lowered  }
0x9b: {  	s22 =	simm.s32 $0x1BFF;
	s21 =	sshll.u32 s5, $0x1;
	s2 =	sadd.s32 s19, s18  }
0x9c: {  	s6 =	simm.s32 $0x0;
	s20 =	sshll.u32 s4, $0x1;
	s4 =	sadd.s32 s21, s2  }
0x9d: {  	[timem:s6], [sflag:s22] =	dma.local [hbm:s4], s20  }
0x9e: {  	_ =	swait.ge [sflag:s22], s20  }
0x9f: {  	s3 =	ssub.s32 $0x0, s20;
	[sflag:s22] =	ssyncset.done $0x0  }
0xa0: {  	[sflag:s22] =	ssyncadd.s32 s3;
	_ =	sdelay $0x1  }
0xa1: {  	s23 =	simm.s32 $0x1B8B  }
0xa2: {  	_ =	swait.ge [sflag:s23], $0x1  }
0xa3: {  	[sflag:s23] =	ssyncset.done $0x0  }
0xa4: {  	s25 =	simm.s32 $0x1B8E;
	s24 =	sld [smem:$0x3FFE];
	[sflag:s23] =	ssyncadd.s32 $0xFFFFFFFF  }
0xa5: {  	s26 =	simm.s32 $execute0_lowered;
	[smem:$0x3FD2] =	sst s25  }
0xa6: {  	s4 =	sshll.u32 s26, $0x1;
	_ =	strace $0x80000046;
	[dreg:$0x1] =	wrdreg $0xFFFFFFFF  }
0xa7: {  	s28 =	simm.s32 $_size_execute0_lowered;
	s2 =	sadd.s32 s2, s4;
	[dreg:$0x0] =	wrdreg $0x0  }
0xa8: {  	s4 =	sshll.u32 s28, $0x1;
	[dreg:$0x2] =	wrdreg s2  }
0xa9: {  	[dreg:$0x3] =	wrdreg s4  }
0xaa: {  	[dreg:$0x4] =	wrdreg $0xC0  }
0xab: {  	_ =	task [dreg:s6], $0x5FFFF  }
0xac: {  	[dreg:$0x1] =	wrdreg $0xFFFFFFFF  }
0xad: {  	[dreg:$0x0] =	wrdreg $0x60  }
0xae: {  	[dreg:$0x2] =	wrdreg s24  }
0xaf: {  	[dreg:$0x3] =	wrdreg $0x4E700  }
0xb0: {  	[dreg:$0x4] =	wrdreg $0x9  }
0xb1: {  	_ =	task.clear_ibuf [dreg:s6], $0x5FFFF;
	_ =	strace $0x90000046  }
0xb2: {  	s29 =	simm.s32 $0x9;
	_ =	strace $0x80000048  }
0xb3: {  	_ =	swait.ge [sflag:s29], $0x1  }
0xb4: {  	[sflag:s29] =	ssyncadd.s32 $0xFFFFFFFF  }
0xb5: {  	_ =	strace $0x90000048  }
0xb6: {  	_ =	sfence  }
0xb7: {  	s30 =	sld [smem:$0x0];
	_ =	sdelay $0x2  }
0xb8: {  	s31 =	sshll.u32 s1, $0xD;
	s1 =	sshrl.u32 s1, $0x2  }
0xb9: {  	s3 =	sand.u32 $0x4000, s31;
	s1 =	sadd.s32 s1, s30  }
0xba: {  	s0 =	sor.u32 s3, s0;
	s1 =	sshll.u32 s1, $0x11  }
0xbb: {  	s0 =	sor.u32 s1, s0  }
0xbc: {  	s0 =	sadd.s32 $0x8F2B, s0  }
0xbd: {  	[sflag:s0] =	ssyncadd.remote.s32 $0x1  }
0xbe: {  	_ =	sfence.sel $0xFFFF  }
0xbf: {  	[dreg:$0x0] =	wrdreg $0xFFFFFFFF;
	(pc) =	sbr.abs _section_cstart, $3  }
0xc0: {  	[dreg:$0x1] =	wrdreg $0xFFFFFFFF  }
0xc1: {  	_ =	task.clear_ibuf [dreg:s6], $0x2FFFF;
	_ =	strace $0x9FFFFFFF  }
0xc2: {  	(tm) =	ssettm $0x7FFFFFFF  }
0xc3: {  	_ =	shalt  }
tec
execute0_lowered:
.L_overlay_start_1:
0x0: {  	(tag) =	ssettag $0x1  }
0x1: {  	s0 =	srdreg.scid  }
0x2: {  	s4 =	rddreg [dreg:$0x0];
	s6 =	stileid.u32  }
0x3: {  	s1 =	rddreg [dreg:$0x1];
	s2 =	simm.s32 $0x0;
	s9 =	simm.s32 $0x2710  }
0x4: {  	s3 =	sand.u32 $0x1, s0;
	[smem:$0x7FF] =	sst s2;
	p0 =	sne.s32 s6, $0x0  }
0x5: {  	s0 =	sshll.u32 s3, $0x4;
	s7 =	smul.u32 $0x4E2, s3;
	s3 =	ssub.s32 $0x2, s3  }
0x6: {  	s10 =	sshrl.u32 @!p0 s1, $0x3;
	s5 =	sor.u32 s6, s0;
	s0 =	rddreg [dreg:$0x2]  }
0x7: {  	_ =	strace $0x80000047;
	s8 =	sshrl.u32 s3, $0x1;
	s5 =	smul.u32 $0x4E2, s5  }
0x8: {  	s6 =	simm.s32 $0x2760;
	s31 =	ssub.s32 s3, s8;
	s8 =	simm.s32 $0x50  }
0x9: {  	s5 =	sadd.s32 s5, s4;
	s4 =	sadd.s32 s7, s4;
	s7 =	simm.s32 $0x1  }
0xa: {  	v0 =	vimm.f32 $1.000000000e+00;
	v1 =	vimm.f32 $0.0e+00;
	s3 =	sadd.s32 $0x3C00, s5;
	s4 =	sadd.s32 $0xDA00, s4;
	s5 =	smax.u32 s31, $0x1  }
.LBB2_1:
.Ltmp0:
0xb: {  	[tilespmem:$0x2710] =	vst v0;
	(pc) =	sbr.rel @p0 .LBB2_5-.Ltmp0, $4  }
0xc: {  	[tilespmem:$0x2720] =	vst v0  }
0xd: {  	[tilespmem:$0x2730] =	vst v0  }
0xe: {  	[tilespmem:$0x2740] =	vst v0  }
0xf: {  	[tilespmem:$0x2750] =	vst v0  }
0x10: {  	s11 =	simm.s32 $0x40;
	s12 =	simm.s32 $0x0  }
.LBB2_3:
0x11: {  	p1 =	sne.s32 s11, $0x9C00;
	[tilespmem:s12+$0x2760] =	vst v1;
	s12 =	smov.u32 s11;
	s11 =	sadd.s32 $0x40, s11  }
.Ltmp1:
0x12: {  	(pc) =	sbr.rel @p1 .LBB2_3-.Ltmp1, $2  }
0x13: {  	_ =	sdelay $0x2  }
0x14: {  	s12 =	sshra.s32 s12, $0x2  }
0x15: {  	[tilespmem:s12+$0x2760] =	vst v1  }
0x16: {  	[spmem:s1] =	stream.linear.scatter [tilespmem:s6], [sflag:$0x1], $0x2710, $0x38;
	[tilespmem:$0x50E8] =	vst v63  }
0x17: {  	_ =	swait.ge [sflag:s7], $0x2710  }
0x18: {  	[sflag:s7] =	ssyncset.done $0x0  }
0x19: {  	[sflag:s7] =	ssyncadd.s32 $0xFFFFD8F0  }
.LBB2_5:
0x1a: {  	s11 =	simm.s32 $0x0  }
0x1b: {  	[tilespmem:s11], [sflag:$0x1] =	stream.linear.gather [hbm4b:s3+s11], $0x2710, $0x38;
	[tilespmem:$0x50E8] =	vst v63  }
0x1c: {  	_ =	swait.ge [sflag:s7], $0x2710  }
0x1d: {  	[sflag:s7] =	ssyncset.done $0x0  }
0x1e: {  	[sflag:s7] =	ssyncadd.s32 $0xFFFFD8F0  }
0x1f: {  	s31 =	simm.s32 $0x0;
	[bflag:$0x0] =	sbarrier.arrive $0xFFFF  }
0x20: {  	[spmem:s1] =	stream.indirect.scatter.add.f32 [tilespmem:s9], [sflag:$0x1], $0x1, s31, s8, $0xb8;
	[tilespmem:$0x50E8] =	vst v63  }
0x21: {  	_ =	swait.ge [sflag:s7], $0x50  }
0x22: {  	s11 =	simm.s32 $0x140;
	[sflag:s7] =	ssyncset.done $0x0  }
.LBB2_6:
0x23: {  	s12 =	sshra.s32 s11, $0x2;
	[sflag:s7] =	ssyncadd.s32 $0xFFFFFFB0;
	p1 =	sne.s32 s11, $0x9B00  }
0x24: {  	[spmem:s1] =	stream.indirect.scatter.add.f32 [tilespmem:s9], [sflag:$0x1], $0x1, s12, s8, $0xb8;
	[tilespmem:$0x50E8] =	vst v63  }
.Ltmp2:
0x25: {  	_ = 	snop;
	(pc) =	sbr.rel @p1 .LBB2_6-.Ltmp2, $4  }
0x26: {  	_ = 	snop  }
0x27: {  	s11 =	sadd.s32 $0x140, s11  }
0x28: {  	_ =	swait.ge [sflag:s7], $0x50  }
0x29: {  	[sflag:s7] =	ssyncset.done $0x0  }
0x2a: {  	[sflag:s7] =	ssyncadd.s32 $0xFFFFFFB0;
	s2 =	sadd.s32 $0x1, s2  }
0x2b: {  	s11 =	simm.s32 @!p0 $0x1C01;
	[bflag:$0x0] =	sbarrier.arrive $0xFFFF;
	p1 =	sne.s32 s2, s5  }
0x2c: {  	[hbm:s4], [sflag:s11] =	dma.local @!p0 [spmem:s10], $0x4E2  }
.Ltmp3:
0x2d: {  	_ = 	snop;
	(pc) =	sbr.rel @p1 .LBB2_1-.Ltmp3, $4  }
0x2e: {  	s11 =	simm.s32 @!p0 $0x1  }
0x2f: {  	_ =	swait.ge @!p0 [sflag:s11], $0x4E2  }
0x30: {  	[sflag:s11] =	ssyncset.done @!p0 $0x0  }
0x31: {  	[sflag:s11] =	ssyncadd.s32 @!p0 $0xFFFFFB1E  }
0x32: {  	_ =	sfence.sel $0x180000  }
0x33: {  	[bflag:$0x0] =	sbarrier.arrive $0xFFFF  }
0x34: {  	_ =	strace $0x90000047  }
0x35: {  	s0 =	sadd.s32 @!p0 $0x100000, s0;
	[bflag:$0x2] =	sbarrier.arrive $0xFFFF  }
0x36: {  	[sflag:s0] =	ssyncadd.tile.s32 @!p0 $0x1;
	_ =	shalt  }
.Lfunc_end2:
_tile_overlayer_lowered:
.L_overlay_start_2:
0x37: {  	(tag) =	ssettag $0x2  }
0x38: {  	s0 =	rddreg [dreg:$0x0];
	s2 =	stileid.u32  }
0x39: {  	s1 =	rddreg [dreg:$0x1];
	p0 =	sne.s32 s2, $0x0  }
0x3a: {  	s3 =	rddreg [dreg:$0x2];
	[bflag:$0x3] =	sbarrier.arrive $0xFFFF;
	s2 =	simm.s32 @!p0 $0x1C01  }
0x3b: {  	[timem:s3], [sflag:s2] =	dma.local @!p0 [hbm:s0], s1  }
0x3c: {  	s0 =	simm.s32 @!p0 $0x1  }
0x3d: {  	_ =	swait.ge @!p0 [sflag:s0], s1  }
0x3e: {  	s1 =	ssub.s32 @!p0 $0x0, s1;
	[sflag:s0] =	ssyncset.done @!p0 $0x0  }
0x3f: {  	[sflag:s0] =	ssyncadd.s32 @!p0 s1  }
0x40: {  	[bflag:$0x3] =	sbarrier.arrive $0xFFFF  }
0x41: {  	_ =	shalt  }

</sc_bundles>
